<compile_context>
chip_gen: v7x
topology: tpu7x:2x2x1
jax: 0.10.2.dev20260603
libtpu: 0.0.44.dev20260713+nightly
codegen_flags: <defaults>
</compile_context>

<pallas_src>
import jax
import jax.numpy as jnp
from jax import lax
from jax.experimental import pallas as pl
from jax.experimental.pallas import tpu as pltpu
from jax.experimental.pallas import tpu_sc as plsc

N_COINS = 100000
EMBED_DIM = 16
BATCH = 16384
HIST = 50

NC = 2
NS = 16
H_PER_CORE = HIST // NC
CHUNK = 4096
N_CHUNKS = BATCH // CHUNK
N_PAIRS = H_PER_CORE * N_CHUNKS
LANES = 16
UNROLL = 16
VSTEPS = CHUNK // (LANES * UNROLL)


def _emb_body(idx_hbm, tab_hbm, out_hbm, tabrow_v,
              idx0, idx1, res0, res1, isem0, isem1, ssem0, ssem1):
    e = lax.axis_index("s")
    core = lax.axis_index("c")
    h_base = core * H_PER_CORE

    pltpu.sync_copy(tab_hbm.at[e], tabrow_v)

    idxs = (idx0, idx1)
    ress = (res0, res1)
    isems = (isem0, isem1)
    ssems = (ssem0, ssem1)

    def locate(p):
        h = h_base + lax.shift_right_logical(p, 2)
        c0 = pl.multiple_of(lax.shift_left(lax.bitwise_and(p, 3), 12), 8)
        return h, c0

    def idx_desc(p, b):
        h, c0 = locate(p)
        return pltpu.make_async_copy(
            idx_hbm.at[h, pl.ds(c0, CHUNK)], idxs[b], isems[b])

    ehi = lax.shift_right_logical(e, 3)
    elo = lax.bitwise_and(e, 7)

    def compute(b):
        def v_body(k, carry):
            base = pl.multiple_of(k * (LANES * UNROLL), 8)
            for i in range(UNROLL):
                o = base + i * LANES
                iv = idxs[b][pl.ds(o, LANES)]
                row = 2 * k + i // 8
                col = (i % 8) * LANES
                ress[b][row, pl.ds(col, LANES)] = plsc.load_gather(
                    tabrow_v, [iv])
            return carry

        lax.fori_loop(0, VSTEPS, v_body, 0)

    def store_desc(p, b):
        h, c0 = locate(p)
        bt0 = lax.shift_right_logical(c0, 7)
        return pltpu.make_async_copy(
            ress[b], out_hbm.at[h, ehi, pl.ds(bt0, CHUNK // 128), elo],
            ssems[b])

    idx_desc(0, 0).start()
    idx_desc(1, 1).start()

    def g_body(g, carry):
        pA = g * 2
        pB = pA + 1

        @pl.when(g > 0)
        def _():
            store_desc(pA - 2, 0).wait()
            store_desc(pB - 2, 1).wait()

        idx_desc(pA, 0).wait()
        compute(0)

        @pl.when(pA + 2 < N_PAIRS)
        def _():
            idx_desc(pA + 2, 0).start()

        store_desc(pA, 0).start()
        idx_desc(pB, 1).wait()
        compute(1)

        @pl.when(pB + 2 < N_PAIRS)
        def _():
            idx_desc(pB + 2, 1).start()

        store_desc(pB, 1).start()
        return carry

    lax.fori_loop(0, N_PAIRS // 2, g_body, 0)
    store_desc(N_PAIRS - 2, 0).wait()
    store_desc(N_PAIRS - 1, 1).wait()


def kernel(coin_id, table):
    mesh = plsc.VectorSubcoreMesh(core_axis_name="c", subcore_axis_name="s")
    k = pl.kernel(
        _emb_body,
        mesh=mesh,
        out_type=jax.ShapeDtypeStruct(
            (HIST, EMBED_DIM // 8, BATCH // 128, 8, 128), jnp.float32),
        scratch_types=(
            [pltpu.VMEM((N_COINS,), jnp.float32)]
            + [pltpu.VMEM((CHUNK,), jnp.int32)] * 2
            + [pltpu.VMEM((CHUNK // 128, 128), jnp.float32)] * 2
            + [pltpu.SemaphoreType.DMA] * 4
        ),
        compiler_params=pltpu.CompilerParams(
            use_tc_tiling_on_sc=False, needs_layout_passes=False),
    )
    out_t = k(coin_id.T, table.T)
    return out_t.transpose(2, 4, 0, 1, 3).reshape(BATCH, HIST, EMBED_DIM)

# --- scband reference (transcript-rebuilt; emitter-appended) ---
"""Pipeline reference for scband-coin-embedding-6090263626431 (READ-ONLY COPY).

The authoritative reference and input builder live on the scoring server;
editing this copy changes nothing except your own understanding.
"""

import jax, jax.numpy as jnp
import numpy as np

N_COINS = 100000
EMBED_DIM = 16
BATCH = 16384
HIST = 50

def setup_inputs(seed: int = 0) -> dict:
    key = jax.random.key(seed)
    k_idx, k_tab = jax.random.split(key)
    coin_id = jax.random.randint(k_idx, (BATCH, HIST), 0, N_COINS, dtype=jnp.int64 if jax.config.jax_enable_x64 else jnp.int32)
    table = jax.random.normal(k_tab, (N_COINS, EMBED_DIM), dtype=jnp.float32)
    return {"coin_id": coin_id, "table": table}

def reference(coin_id, table):
    # nn.Embedding forward: gather rows of the table by index
    return jnp.take(table, coin_id, axis=0)

if __name__ == "__main__":
    import jax
    _d = setup_inputs()
    print(jax.jit(kernel)(*tuple(_d.values())))

</pallas_src>

<mosaic_0001>
#map = affine_map<(d0, d1) -> (0, 0)>
#map1 = affine_map<(d0, d1) -> (0, 0, 0, 0, 0)>
module attributes {stable_mosaic.version = 14 : i64} {
  func.func @_emb_body(%arg0: i32, %arg1: i32, %arg2: memref<50x16384xi32, #tpu.memory_space<hbm>>, %arg3: memref<16x100000xf32, #tpu.memory_space<hbm>>, %arg4: memref<50x2x128x8x128xf32, #tpu.memory_space<hbm>>, %arg5: memref<100000xf32, #tpu.memory_space<vmem>>, %arg6: memref<4096xi32, #tpu.memory_space<vmem>>, %arg7: memref<4096xi32, #tpu.memory_space<vmem>>, %arg8: memref<32x128xf32, #tpu.memory_space<vmem>>, %arg9: memref<32x128xf32, #tpu.memory_space<vmem>>, %arg10: memref<!tpu.dma_semaphore, #tpu.memory_space<semaphore_mem>>, %arg11: memref<!tpu.dma_semaphore, #tpu.memory_space<semaphore_mem>>, %arg12: memref<!tpu.dma_semaphore, #tpu.memory_space<semaphore_mem>>, %arg13: memref<!tpu.dma_semaphore, #tpu.memory_space<semaphore_mem>>) attributes {dimension_semantics = [#tpu.dimension_semantics<core_parallel>, #tpu.dimension_semantics<subcore_parallel>], iteration_bounds = array<i64: 2, 16>, scalar_prefetch = 0 : i64, scratch_operands = 9 : i64, tpu.core_type = #tpu.core_type<sc_vector_subcore>, window_params = [{transform_indices = #map}, {transform_indices = #map}, {transform_indices = #map1}]} {
    %mul3A = arith.constant 25 : i32
    %mul3A_0 = arith.muli %arg0, %mul3A : i32
    "tpu.region"() ({
      %run_scoped3A = tpu.sem_alloc : memref<!tpu.dma_semaphore, #tpu.memory_space<semaphore_mem>>
      %dma_start3A_67 = arith.constant 0 : i32
      %dma_start3A_68 = tpu.memref_slice %arg3[%arg1, %dma_start3A_67] : memref<16x100000xf32, #tpu.memory_space<hbm>> -> memref<1x100000xf32, #tpu.memory_space<hbm>>
      %dma_start3A_69 = tpu.memref_squeeze %dma_start3A_68 : memref<1x100000xf32, #tpu.memory_space<hbm>> -> memref<100000xf32, #tpu.memory_space<hbm>>
      %dma_start3A_70 = arith.constant 0 : i32
      %dma_start3A_71 = tpu.memref_slice %arg3[%arg1, %dma_start3A_70] : memref<16x100000xf32, #tpu.memory_space<hbm>> -> memref<1x100000xf32, #tpu.memory_space<hbm>>
      %dma_start3A_72 = tpu.memref_squeeze %dma_start3A_71 : memref<1x100000xf32, #tpu.memory_space<hbm>> -> memref<100000xf32, #tpu.memory_space<hbm>>
      tpu.enqueue_dma source(%dma_start3A_72 : memref<100000xf32, #tpu.memory_space<hbm>>) target(%arg5 : memref<100000xf32, #tpu.memory_space<vmem>>) target_semaphore(%run_scoped3A : memref<!tpu.dma_semaphore, #tpu.memory_space<semaphore_mem>>)
      %dma_wait3A_73 = arith.constant 0 : i32
      %dma_wait3A_74 = tpu.memref_slice %arg3[%arg1, %dma_wait3A_73] : memref<16x100000xf32, #tpu.memory_space<hbm>> -> memref<1x100000xf32, #tpu.memory_space<hbm>>
      %dma_wait3A_75 = tpu.memref_squeeze %dma_wait3A_74 : memref<1x100000xf32, #tpu.memory_space<hbm>> -> memref<100000xf32, #tpu.memory_space<hbm>>
      %dma_wait3A_76 = arith.constant 0 : i32
      %dma_wait3A_77 = tpu.memref_slice %arg3[%arg1, %dma_wait3A_76] : memref<16x100000xf32, #tpu.memory_space<hbm>> -> memref<1x100000xf32, #tpu.memory_space<hbm>>
      %dma_wait3A_78 = tpu.memref_squeeze %dma_wait3A_77 : memref<1x100000xf32, #tpu.memory_space<hbm>> -> memref<100000xf32, #tpu.memory_space<hbm>>
      tpu.wait_dma2 semaphore(%run_scoped3A : memref<!tpu.dma_semaphore, #tpu.memory_space<semaphore_mem>>) src(%dma_wait3A_78 : memref<100000xf32, #tpu.memory_space<hbm>>) dst(%arg5 : memref<100000xf32, #tpu.memory_space<vmem>>)
      tpu.yield
    }) : () -> ()
    %shift_right_logical3A = arith.constant 3 : i32
    %shift_right_logical3A_1 = arith.shrui %arg1, %shift_right_logical3A : i32
    %and3A = arith.constant 7 : i32
    %and3A_2 = arith.andi %arg1, %and3A : i32
    %shift_right_logical3A_3 = arith.constant 0 : i32
    %shift_right_logical3A_4 = arith.constant 2 : i32
    %shift_right_logical3A_5 = arith.shrui %shift_right_logical3A_3, %shift_right_logical3A_4 : i32
    %add3A = arith.addi %mul3A_0, %shift_right_logical3A_5 : i32
    %and3A_6 = arith.constant 0 : i32
    %and3A_7 = arith.constant 3 : i32
    %and3A_8 = arith.andi %and3A_6, %and3A_7 : i32
    %shift_left3A = arith.constant 12 : i32
    %shift_left3A_9 = arith.shli %and3A_8, %shift_left3A : i32
    %multiple_of3A = tpu.assume_multiple %shift_left3A_9, 8 : i32
    %dma_start3A = tpu.memref_slice %arg2[%add3A, %multiple_of3A] : memref<50x16384xi32, #tpu.memory_space<hbm>> -> memref<1x4096xi32, #tpu.memory_space<hbm>>
    %dma_start3A_10 = tpu.memref_squeeze %dma_start3A : memref<1x4096xi32, #tpu.memory_space<hbm>> -> memref<4096xi32, #tpu.memory_space<hbm>>
    %dma_start3A_11 = tpu.memref_slice %arg2[%add3A, %multiple_of3A] : memref<50x16384xi32, #tpu.memory_space<hbm>> -> memref<1x4096xi32, #tpu.memory_space<hbm>>
    %dma_start3A_12 = tpu.memref_squeeze %dma_start3A_11 : memref<1x4096xi32, #tpu.memory_space<hbm>> -> memref<4096xi32, #tpu.memory_space<hbm>>
    tpu.enqueue_dma source(%dma_start3A_12 : memref<4096xi32, #tpu.memory_space<hbm>>) target(%arg6 : memref<4096xi32, #tpu.memory_space<vmem>>) target_semaphore(%arg10 : memref<!tpu.dma_semaphore, #tpu.memory_space<semaphore_mem>>)
    %shift_right_logical3A_13 = arith.constant 1 : i32
    %shift_right_logical3A_14 = arith.constant 2 : i32
    %shift_right_logical3A_15 = arith.shrui %shift_right_logical3A_13, %shift_right_logical3A_14 : i32
    %add3A_16 = arith.addi %mul3A_0, %shift_right_logical3A_15 : i32
    %and3A_17 = arith.constant 1 : i32
    %and3A_18 = arith.constant 3 : i32
    %and3A_19 = arith.andi %and3A_17, %and3A_18 : i32
    %shift_left3A_20 = arith.constant 12 : i32
    %shift_left3A_21 = arith.shli %and3A_19, %shift_left3A_20 : i32
    %multiple_of3A_22 = tpu.assume_multiple %shift_left3A_21, 8 : i32
    %dma_start3A_23 = tpu.memref_slice %arg2[%add3A_16, %multiple_of3A_22] : memref<50x16384xi32, #tpu.memory_space<hbm>> -> memref<1x4096xi32, #tpu.memory_space<hbm>>
    %dma_start3A_24 = tpu.memref_squeeze %dma_start3A_23 : memref<1x4096xi32, #tpu.memory_space<hbm>> -> memref<4096xi32, #tpu.memory_space<hbm>>
    %dma_start3A_25 = tpu.memref_slice %arg2[%add3A_16, %multiple_of3A_22] : memref<50x16384xi32, #tpu.memory_space<hbm>> -> memref<1x4096xi32, #tpu.memory_space<hbm>>
    %dma_start3A_26 = tpu.memref_squeeze %dma_start3A_25 : memref<1x4096xi32, #tpu.memory_space<hbm>> -> memref<4096xi32, #tpu.memory_space<hbm>>
    tpu.enqueue_dma source(%dma_start3A_26 : memref<4096xi32, #tpu.memory_space<hbm>>) target(%arg7 : memref<4096xi32, #tpu.memory_space<vmem>>) target_semaphore(%arg11 : memref<!tpu.dma_semaphore, #tpu.memory_space<semaphore_mem>>)
    %scan3A = arith.constant 0 : i32
    %scan3A_27 = arith.constant 0 : i32
    %scan3A_28 = arith.constant 50 : i32
    %scan3A_29 = arith.addi %scan3A_27, %scan3A_28 : i32
    %scan3A_30 = arith.constant 1 : i32
    scf.for %scan3A_67 = %scan3A_27 to %scan3A_29 step %scan3A_30  : i32 {
      %mul3A_68 = arith.constant 2 : i32
      %mul3A_69 = arith.muli %scan3A_67, %mul3A_68 : i32
      %add3A_70 = arith.constant 1 : i32
      %add3A_71 = arith.addi %mul3A_69, %add3A_70 : i32
      %gt3A = arith.constant 0 : i32
      %gt3A_72 = arith.cmpi sgt, %scan3A_67, %gt3A : i32
      %convert_element_type3A = arith.extui %gt3A_72 : i1 to i32
      %cond3A = arith.constant 0 : i32
      %cond3A_73 = arith.cmpi ne, %convert_element_type3A, %cond3A : i32
      scf.if %cond3A_73 {
        %sub3A = arith.constant 2 : i32
        %sub3A_155 = arith.subi %mul3A_69, %sub3A : i32
        %shift_right_logical3A_156 = arith.constant 2 : i32
        %shift_right_logical3A_157 = arith.shrui %sub3A_155, %shift_right_logical3A_156 : i32
        %add3A_158 = arith.addi %mul3A_0, %shift_right_logical3A_157 : i32
        %and3A_159 = arith.constant 3 : i32
        %and3A_160 = arith.andi %sub3A_155, %and3A_159 : i32
        %shift_left3A_161 = arith.constant 12 : i32
        %shift_left3A_162 = arith.shli %and3A_160, %shift_left3A_161 : i32
        %multiple_of3A_163 = tpu.assume_multiple %shift_left3A_162, 8 : i32
        %shift_right_logical3A_164 = arith.constant 7 : i32
        %shift_right_logical3A_165 = arith.shrui %multiple_of3A_163, %shift_right_logical3A_164 : i32
        %dma_wait3A_166 = arith.constant 0 : i32
        %dma_wait3A_167 = tpu.memref_slice %arg4[%add3A_158, %shift_right_logical3A_1, %shift_right_logical3A_165, %and3A_2, %dma_wait3A_166] : memref<50x2x128x8x128xf32, #tpu.memory_space<hbm>> -> memref<1x1x32x1x128xf32, #tpu.memory_space<hbm>>
        %dma_wait3A_168 = tpu.memref_squeeze %dma_wait3A_167 : memref<1x1x32x1x128xf32, #tpu.memory_space<hbm>> -> memref<32x128xf32, #tpu.memory_space<hbm>>
        %dma_wait3A_169 = arith.constant 0 : i32
        %dma_wait3A_170 = tpu.memref_slice %arg4[%add3A_158, %shift_right_logical3A_1, %shift_right_logical3A_165, %and3A_2, %dma_wait3A_169] : memref<50x2x128x8x128xf32, #tpu.memory_space<hbm>> -> memref<1x1x32x1x128xf32, #tpu.memory_space<hbm>>
        %dma_wait3A_171 = tpu.memref_squeeze %dma_wait3A_170 : memref<1x1x32x1x128xf32, #tpu.memory_space<hbm>> -> memref<32x128xf32, #tpu.memory_space<hbm>>
        tpu.wait_dma2 semaphore(%arg12 : memref<!tpu.dma_semaphore, #tpu.memory_space<semaphore_mem>>) src(%arg8 : memref<32x128xf32, #tpu.memory_space<vmem>>) dst(%dma_wait3A_171 : memref<32x128xf32, #tpu.memory_space<hbm>>)
        %sub3A_172 = arith.constant 2 : i32
        %sub3A_173 = arith.subi %add3A_71, %sub3A_172 : i32
        %shift_right_logical3A_174 = arith.constant 2 : i32
        %shift_right_logical3A_175 = arith.shrui %sub3A_173, %shift_right_logical3A_174 : i32
        %add3A_176 = arith.addi %mul3A_0, %shift_right_logical3A_175 : i32
        %and3A_177 = arith.constant 3 : i32
        %and3A_178 = arith.andi %sub3A_173, %and3A_177 : i32
        %shift_left3A_179 = arith.constant 12 : i32
        %shift_left3A_180 = arith.shli %and3A_178, %shift_left3A_179 : i32
        %multiple_of3A_181 = tpu.assume_multiple %shift_left3A_180, 8 : i32
        %shift_right_logical3A_182 = arith.constant 7 : i32
        %shift_right_logical3A_183 = arith.shrui %multiple_of3A_181, %shift_right_logical3A_182 : i32
        %dma_wait3A_184 = arith.constant 0 : i32
        %dma_wait3A_185 = tpu.memref_slice %arg4[%add3A_176, %shift_right_logical3A_1, %shift_right_logical3A_183, %and3A_2, %dma_wait3A_184] : memref<50x2x128x8x128xf32, #tpu.memory_space<hbm>> -> memref<1x1x32x1x128xf32, #tpu.memory_space<hbm>>
        %dma_wait3A_186 = tpu.memref_squeeze %dma_wait3A_185 : memref<1x1x32x1x128xf32, #tpu.memory_space<hbm>> -> memref<32x128xf32, #tpu.memory_space<hbm>>
        %dma_wait3A_187 = arith.constant 0 : i32
        %dma_wait3A_188 = tpu.memref_slice %arg4[%add3A_176, %shift_right_logical3A_1, %shift_right_logical3A_183, %and3A_2, %dma_wait3A_187] : memref<50x2x128x8x128xf32, #tpu.memory_space<hbm>> -> memref<1x1x32x1x128xf32, #tpu.memory_space<hbm>>
        %dma_wait3A_189 = tpu.memref_squeeze %dma_wait3A_188 : memref<1x1x32x1x128xf32, #tpu.memory_space<hbm>> -> memref<32x128xf32, #tpu.memory_space<hbm>>
        tpu.wait_dma2 semaphore(%arg13 : memref<!tpu.dma_semaphore, #tpu.memory_space<semaphore_mem>>) src(%arg9 : memref<32x128xf32, #tpu.memory_space<vmem>>) dst(%dma_wait3A_189 : memref<32x128xf32, #tpu.memory_space<hbm>>)
      } else {
      }
      %shift_right_logical3A_74 = arith.constant 2 : i32
      %shift_right_logical3A_75 = arith.shrui %mul3A_69, %shift_right_logical3A_74 : i32
      %add3A_76 = arith.addi %mul3A_0, %shift_right_logical3A_75 : i32
      %and3A_77 = arith.constant 3 : i32
      %and3A_78 = arith.andi %mul3A_69, %and3A_77 : i32
      %shift_left3A_79 = arith.constant 12 : i32
      %shift_left3A_80 = arith.shli %and3A_78, %shift_left3A_79 : i32
      %multiple_of3A_81 = tpu.assume_multiple %shift_left3A_80, 8 : i32
      %dma_wait3A_82 = tpu.memref_slice %arg2[%add3A_76, %multiple_of3A_81] : memref<50x16384xi32, #tpu.memory_space<hbm>> -> memref<1x4096xi32, #tpu.memory_space<hbm>>
      %dma_wait3A_83 = tpu.memref_squeeze %dma_wait3A_82 : memref<1x4096xi32, #tpu.memory_space<hbm>> -> memref<4096xi32, #tpu.memory_space<hbm>>
      %dma_wait3A_84 = tpu.memref_slice %arg2[%add3A_76, %multiple_of3A_81] : memref<50x16384xi32, #tpu.memory_space<hbm>> -> memref<1x4096xi32, #tpu.memory_space<hbm>>
      %dma_wait3A_85 = tpu.memref_squeeze %dma_wait3A_84 : memref<1x4096xi32, #tpu.memory_space<hbm>> -> memref<4096xi32, #tpu.memory_space<hbm>>
      tpu.wait_dma2 semaphore(%arg10 : memref<!tpu.dma_semaphore, #tpu.memory_space<semaphore_mem>>) src(%dma_wait3A_85 : memref<4096xi32, #tpu.memory_space<hbm>>) dst(%arg6 : memref<4096xi32, #tpu.memory_space<vmem>>)
      %scan3A_86 = arith.constant 0 : i32
      %scan3A_87 = arith.constant 0 : i32
      %scan3A_88 = arith.constant 16 : i32
      %scan3A_89 = arith.addi %scan3A_87, %scan3A_88 : i32
      %scan3A_90 = arith.constant 1 : i32
      scf.for %scan3A_155 = %scan3A_87 to %scan3A_89 step %scan3A_90  : i32 {
        %mul3A_156 = arith.constant 256 : i32
        %mul3A_157 = arith.muli %scan3A_155, %mul3A_156 : i32
        %multiple_of3A_158 = tpu.assume_multiple %mul3A_157, 8 : i32
        %add3A_159 = arith.constant 0 : i32
        %add3A_160 = arith.addi %multiple_of3A_158, %add3A_159 : i32
        %get3A = arith.index_cast %add3A_160 : i32 to index
        %get3A_161 = tpu.vector_load %arg6[%get3A] {strides = array<i32>} : memref<4096xi32, #tpu.memory_space<vmem>>, vector<16xi32>,
        %mul3A_162 = arith.constant 2 : i32
        %mul3A_163 = arith.muli %mul3A_162, %scan3A_155 : i32
        %add3A_164 = arith.constant 0 : i32
        %add3A_165 = arith.addi %mul3A_163, %add3A_164 : i32
        %gather3A = tpu.vector_load_idx %arg5[%get3A_161] : memref<100000xf32, #tpu.memory_space<vmem>>[vector<16xi32>], vector<16xf32>,
        %swap3A = arith.index_cast %add3A_165 : i32 to index
        %swap3A_166 = arith.constant 0 : index
        %swap3A_167 = tpu.vector_load %arg8[%swap3A, %swap3A_166] {strides = array<i32>} : memref<32x128xf32, #tpu.memory_space<vmem>>, vector<16xf32>,
        tpu.vector_store %arg8[%swap3A, %swap3A_166], %gather3A {strides = array<i32>} : memref<32x128xf32, #tpu.memory_space<vmem>>, vector<16xf32>,
        %add3A_168 = arith.constant 16 : i32
        %add3A_169 = arith.addi %multiple_of3A_158, %add3A_168 : i32
        %get3A_170 = arith.index_cast %add3A_169 : i32 to index
        %get3A_171 = tpu.vector_load %arg6[%get3A_170] {strides = array<i32>} : memref<4096xi32, #tpu.memory_space<vmem>>, vector<16xi32>,
        %mul3A_172 = arith.constant 2 : i32
        %mul3A_173 = arith.muli %mul3A_172, %scan3A_155 : i32
        %add3A_174 = arith.constant 0 : i32
        %add3A_175 = arith.addi %mul3A_173, %add3A_174 : i32
        %gather3A_176 = tpu.vector_load_idx %arg5[%get3A_171] : memref<100000xf32, #tpu.memory_space<vmem>>[vector<16xi32>], vector<16xf32>,
        %swap3A_177 = arith.index_cast %add3A_175 : i32 to index
        %swap3A_178 = arith.constant 16 : index
        %swap3A_179 = tpu.vector_load %arg8[%swap3A_177, %swap3A_178] {strides = array<i32>} : memref<32x128xf32, #tpu.memory_space<vmem>>, vector<16xf32>,
        tpu.vector_store %arg8[%swap3A_177, %swap3A_178], %gather3A_176 {strides = array<i32>} : memref<32x128xf32, #tpu.memory_space<vmem>>, vector<16xf32>,
        %add3A_180 = arith.constant 32 : i32
        %add3A_181 = arith.addi %multiple_of3A_158, %add3A_180 : i32
        %get3A_182 = arith.index_cast %add3A_181 : i32 to index
        %get3A_183 = tpu.vector_load %arg6[%get3A_182] {strides = array<i32>} : memref<4096xi32, #tpu.memory_space<vmem>>, vector<16xi32>,
        %mul3A_184 = arith.constant 2 : i32
        %mul3A_185 = arith.muli %mul3A_184, %scan3A_155 : i32
        %add3A_186 = arith.constant 0 : i32
        %add3A_187 = arith.addi %mul3A_185, %add3A_186 : i32
        %gather3A_188 = tpu.vector_load_idx %arg5[%get3A_183] : memref<100000xf32, #tpu.memory_space<vmem>>[vector<16xi32>], vector<16xf32>,
        %swap3A_189 = arith.index_cast %add3A_187 : i32 to index
        %swap3A_190 = arith.constant 32 : index
        %swap3A_191 = tpu.vector_load %arg8[%swap3A_189, %swap3A_190] {strides = array<i32>} : memref<32x128xf32, #tpu.memory_space<vmem>>, vector<16xf32>,
        tpu.vector_store %arg8[%swap3A_189, %swap3A_190], %gather3A_188 {strides = array<i32>} : memref<32x128xf32, #tpu.memory_space<vmem>>, vector<16xf32>,
        %add3A_192 = arith.constant 48 : i32
        %add3A_193 = arith.addi %multiple_of3A_158, %add3A_192 : i32
        %get3A_194 = arith.index_cast %add3A_193 : i32 to index
        %get3A_195 = tpu.vector_load %arg6[%get3A_194] {strides = array<i32>} : memref<4096xi32, #tpu.memory_space<vmem>>, vector<16xi32>,
        %mul3A_196 = arith.constant 2 : i32
        %mul3A_197 = arith.muli %mul3A_196, %scan3A_155 : i32
        %add3A_198 = arith.constant 0 : i32
        %add3A_199 = arith.addi %mul3A_197, %add3A_198 : i32
        %gather3A_200 = tpu.vector_load_idx %arg5[%get3A_195] : memref<100000xf32, #tpu.memory_space<vmem>>[vector<16xi32>], vector<16xf32>,
        %swap3A_201 = arith.index_cast %add3A_199 : i32 to index
        %swap3A_202 = arith.constant 48 : index
        %swap3A_203 = tpu.vector_load %arg8[%swap3A_201, %swap3A_202] {strides = array<i32>} : memref<32x128xf32, #tpu.memory_space<vmem>>, vector<16xf32>,
        tpu.vector_store %arg8[%swap3A_201, %swap3A_202], %gather3A_200 {strides = array<i32>} : memref<32x128xf32, #tpu.memory_space<vmem>>, vector<16xf32>,
        %add3A_204 = arith.constant 64 : i32
        %add3A_205 = arith.addi %multiple_of3A_158, %add3A_204 : i32
        %get3A_206 = arith.index_cast %add3A_205 : i32 to index
        %get3A_207 = tpu.vector_load %arg6[%get3A_206] {strides = array<i32>} : memref<4096xi32, #tpu.memory_space<vmem>>, vector<16xi32>,
        %mul3A_208 = arith.constant 2 : i32
        %mul3A_209 = arith.muli %mul3A_208, %scan3A_155 : i32
        %add3A_210 = arith.constant 0 : i32
        %add3A_211 = arith.addi %mul3A_209, %add3A_210 : i32
        %gather3A_212 = tpu.vector_load_idx %arg5[%get3A_207] : memref<100000xf32, #tpu.memory_space<vmem>>[vector<16xi32>], vector<16xf32>,
        %swap3A_213 = arith.index_cast %add3A_211 : i32 to index
        %swap3A_214 = arith.constant 64 : index
        %swap3A_215 = tpu.vector_load %arg8[%swap3A_213, %swap3A_214] {strides = array<i32>} : memref<32x128xf32, #tpu.memory_space<vmem>>, vector<16xf32>,
        tpu.vector_store %arg8[%swap3A_213, %swap3A_214], %gather3A_212 {strides = array<i32>} : memref<32x128xf32, #tpu.memory_space<vmem>>, vector<16xf32>,
        %add3A_216 = arith.constant 80 : i32
        %add3A_217 = arith.addi %multiple_of3A_158, %add3A_216 : i32
        %get3A_218 = arith.index_cast %add3A_217 : i32 to index
        %get3A_219 = tpu.vector_load %arg6[%get3A_218] {strides = array<i32>} : memref<4096xi32, #tpu.memory_space<vmem>>, vector<16xi32>,
        %mul3A_220 = arith.constant 2 : i32
        %mul3A_221 = arith.muli %mul3A_220, %scan3A_155 : i32
        %add3A_222 = arith.constant 0 : i32
        %add3A_223 = arith.addi %mul3A_221, %add3A_222 : i32
        %gather3A_224 = tpu.vector_load_idx %arg5[%get3A_219] : memref<100000xf32, #tpu.memory_space<vmem>>[vector<16xi32>], vector<16xf32>,
        %swap3A_225 = arith.index_cast %add3A_223 : i32 to index
        %swap3A_226 = arith.constant 80 : index
        %swap3A_227 = tpu.vector_load %arg8[%swap3A_225, %swap3A_226] {strides = array<i32>} : memref<32x128xf32, #tpu.memory_space<vmem>>, vector<16xf32>,
        tpu.vector_store %arg8[%swap3A_225, %swap3A_226], %gather3A_224 {strides = array<i32>} : memref<32x128xf32, #tpu.memory_space<vmem>>, vector<16xf32>,
        %add3A_228 = arith.constant 96 : i32
        %add3A_229 = arith.addi %multiple_of3A_158, %add3A_228 : i32
        %get3A_230 = arith.index_cast %add3A_229 : i32 to index
        %get3A_231 = tpu.vector_load %arg6[%get3A_230] {strides = array<i32>} : memref<4096xi32, #tpu.memory_space<vmem>>, vector<16xi32>,
        %mul3A_232 = arith.constant 2 : i32
        %mul3A_233 = arith.muli %mul3A_232, %scan3A_155 : i32
        %add3A_234 = arith.constant 0 : i32
        %add3A_235 = arith.addi %mul3A_233, %add3A_234 : i32
        %gather3A_236 = tpu.vector_load_idx %arg5[%get3A_231] : memref<100000xf32, #tpu.memory_space<vmem>>[vector<16xi32>], vector<16xf32>,
        %swap3A_237 = arith.index_cast %add3A_235 : i32 to index
        %swap3A_238 = arith.constant 96 : index
        %swap3A_239 = tpu.vector_load %arg8[%swap3A_237, %swap3A_238] {strides = array<i32>} : memref<32x128xf32, #tpu.memory_space<vmem>>, vector<16xf32>,
        tpu.vector_store %arg8[%swap3A_237, %swap3A_238], %gather3A_236 {strides = array<i32>} : memref<32x128xf32, #tpu.memory_space<vmem>>, vector<16xf32>,
        %add3A_240 = arith.constant 112 : i32
        %add3A_241 = arith.addi %multiple_of3A_158, %add3A_240 : i32
        %get3A_242 = arith.index_cast %add3A_241 : i32 to index
        %get3A_243 = tpu.vector_load %arg6[%get3A_242] {strides = array<i32>} : memref<4096xi32, #tpu.memory_space<vmem>>, vector<16xi32>,
        %mul3A_244 = arith.constant 2 : i32
        %mul3A_245 = arith.muli %mul3A_244, %scan3A_155 : i32
        %add3A_246 = arith.constant 0 : i32
        %add3A_247 = arith.addi %mul3A_245, %add3A_246 : i32
        %gather3A_248 = tpu.vector_load_idx %arg5[%get3A_243] : memref<100000xf32, #tpu.memory_space<vmem>>[vector<16xi32>], vector<16xf32>,
        %swap3A_249 = arith.index_cast %add3A_247 : i32 to index
        %swap3A_250 = arith.constant 112 : index
        %swap3A_251 = tpu.vector_load %arg8[%swap3A_249, %swap3A_250] {strides = array<i32>} : memref<32x128xf32, #tpu.memory_space<vmem>>, vector<16xf32>,
        tpu.vector_store %arg8[%swap3A_249, %swap3A_250], %gather3A_248 {strides = array<i32>} : memref<32x128xf32, #tpu.memory_space<vmem>>, vector<16xf32>,
        %add3A_252 = arith.constant 128 : i32
        %add3A_253 = arith.addi %multiple_of3A_158, %add3A_252 : i32
        %get3A_254 = arith.index_cast %add3A_253 : i32 to index
        %get3A_255 = tpu.vector_load %arg6[%get3A_254] {strides = array<i32>} : memref<4096xi32, #tpu.memory_space<vmem>>, vector<16xi32>,
        %mul3A_256 = arith.constant 2 : i32
        %mul3A_257 = arith.muli %mul3A_256, %scan3A_155 : i32
        %add3A_258 = arith.constant 1 : i32
        %add3A_259 = arith.addi %mul3A_257, %add3A_258 : i32
        %gather3A_260 = tpu.vector_load_idx %arg5[%get3A_255] : memref<100000xf32, #tpu.memory_space<vmem>>[vector<16xi32>], vector<16xf32>,
        %swap3A_261 = arith.index_cast %add3A_259 : i32 to index
        %swap3A_262 = arith.constant 0 : index
        %swap3A_263 = tpu.vector_load %arg8[%swap3A_261, %swap3A_262] {strides = array<i32>} : memref<32x128xf32, #tpu.memory_space<vmem>>, vector<16xf32>,
        tpu.vector_store %arg8[%swap3A_261, %swap3A_262], %gather3A_260 {strides = array<i32>} : memref<32x128xf32, #tpu.memory_space<vmem>>, vector<16xf32>,
        %add3A_264 = arith.constant 144 : i32
        %add3A_265 = arith.addi %multiple_of3A_158, %add3A_264 : i32
        %get3A_266 = arith.index_cast %add3A_265 : i32 to index
        %get3A_267 = tpu.vector_load %arg6[%get3A_266] {strides = array<i32>} : memref<4096xi32, #tpu.memory_space<vmem>>, vector<16xi32>,
        %mul3A_268 = arith.constant 2 : i32
        %mul3A_269 = arith.muli %mul3A_268, %scan3A_155 : i32
        %add3A_270 = arith.constant 1 : i32
        %add3A_271 = arith.addi %mul3A_269, %add3A_270 : i32
        %gather3A_272 = tpu.vector_load_idx %arg5[%get3A_267] : memref<100000xf32, #tpu.memory_space<vmem>>[vector<16xi32>], vector<16xf32>,
        %swap3A_273 = arith.index_cast %add3A_271 : i32 to index
        %swap3A_274 = arith.constant 16 : index
        %swap3A_275 = tpu.vector_load %arg8[%swap3A_273, %swap3A_274] {strides = array<i32>} : memref<32x128xf32, #tpu.memory_space<vmem>>, vector<16xf32>,
        tpu.vector_store %arg8[%swap3A_273, %swap3A_274], %gather3A_272 {strides = array<i32>} : memref<32x128xf32, #tpu.memory_space<vmem>>, vector<16xf32>,
        %add3A_276 = arith.constant 160 : i32
        %add3A_277 = arith.addi %multiple_of3A_158, %add3A_276 : i32
        %get3A_278 = arith.index_cast %add3A_277 : i32 to index
        %get3A_279 = tpu.vector_load %arg6[%get3A_278] {strides = array<i32>} : memref<4096xi32, #tpu.memory_space<vmem>>, vector<16xi32>,
        %mul3A_280 = arith.constant 2 : i32
        %mul3A_281 = arith.muli %mul3A_280, %scan3A_155 : i32
        %add3A_282 = arith.constant 1 : i32
        %add3A_283 = arith.addi %mul3A_281, %add3A_282 : i32
        %gather3A_284 = tpu.vector_load_idx %arg5[%get3A_279] : memref<100000xf32, #tpu.memory_space<vmem>>[vector<16xi32>], vector<16xf32>,
        %swap3A_285 = arith.index_cast %add3A_283 : i32 to index
        %swap3A_286 = arith.constant 32 : index
        %swap3A_287 = tpu.vector_load %arg8[%swap3A_285, %swap3A_286] {strides = array<i32>} : memref<32x128xf32, #tpu.memory_space<vmem>>, vector<16xf32>,
        tpu.vector_store %arg8[%swap3A_285, %swap3A_286], %gather3A_284 {strides = array<i32>} : memref<32x128xf32, #tpu.memory_space<vmem>>, vector<16xf32>,
        %add3A_288 = arith.constant 176 : i32
        %add3A_289 = arith.addi %multiple_of3A_158, %add3A_288 : i32
        %get3A_290 = arith.index_cast %add3A_289 : i32 to index
        %get3A_291 = tpu.vector_load %arg6[%get3A_290] {strides = array<i32>} : memref<4096xi32, #tpu.memory_space<vmem>>, vector<16xi32>,
        %mul3A_292 = arith.constant 2 : i32
        %mul3A_293 = arith.muli %mul3A_292, %scan3A_155 : i32
        %add3A_294 = arith.constant 1 : i32
        %add3A_295 = arith.addi %mul3A_293, %add3A_294 : i32
        %gather3A_296 = tpu.vector_load_idx %arg5[%get3A_291] : memref<100000xf32, #tpu.memory_space<vmem>>[vector<16xi32>], vector<16xf32>,
        %swap3A_297 = arith.index_cast %add3A_295 : i32 to index
        %swap3A_298 = arith.constant 48 : index
        %swap3A_299 = tpu.vector_load %arg8[%swap3A_297, %swap3A_298] {strides = array<i32>} : memref<32x128xf32, #tpu.memory_space<vmem>>, vector<16xf32>,
        tpu.vector_store %arg8[%swap3A_297, %swap3A_298], %gather3A_296 {strides = array<i32>} : memref<32x128xf32, #tpu.memory_space<vmem>>, vector<16xf32>,
        %add3A_300 = arith.constant 192 : i32
        %add3A_301 = arith.addi %multiple_of3A_158, %add3A_300 : i32
        %get3A_302 = arith.index_cast %add3A_301 : i32 to index
        %get3A_303 = tpu.vector_load %arg6[%get3A_302] {strides = array<i32>} : memref<4096xi32, #tpu.memory_space<vmem>>, vector<16xi32>,
        %mul3A_304 = arith.constant 2 : i32
        %mul3A_305 = arith.muli %mul3A_304, %scan3A_155 : i32
        %add3A_306 = arith.constant 1 : i32
        %add3A_307 = arith.addi %mul3A_305, %add3A_306 : i32
        %gather3A_308 = tpu.vector_load_idx %arg5[%get3A_303] : memref<100000xf32, #tpu.memory_space<vmem>>[vector<16xi32>], vector<16xf32>,
        %swap3A_309 = arith.index_cast %add3A_307 : i32 to index
        %swap3A_310 = arith.constant 64 : index
        %swap3A_311 = tpu.vector_load %arg8[%swap3A_309, %swap3A_310] {strides = array<i32>} : memref<32x128xf32, #tpu.memory_space<vmem>>, vector<16xf32>,
        tpu.vector_store %arg8[%swap3A_309, %swap3A_310], %gather3A_308 {strides = array<i32>} : memref<32x128xf32, #tpu.memory_space<vmem>>, vector<16xf32>,
        %add3A_312 = arith.constant 208 : i32
        %add3A_313 = arith.addi %multiple_of3A_158, %add3A_312 : i32
        %get3A_314 = arith.index_cast %add3A_313 : i32 to index
        %get3A_315 = tpu.vector_load %arg6[%get3A_314] {strides = array<i32>} : memref<4096xi32, #tpu.memory_space<vmem>>, vector<16xi32>,
        %mul3A_316 = arith.constant 2 : i32
        %mul3A_317 = arith.muli %mul3A_316, %scan3A_155 : i32
        %add3A_318 = arith.constant 1 : i32
        %add3A_319 = arith.addi %mul3A_317, %add3A_318 : i32
        %gather3A_320 = tpu.vector_load_idx %arg5[%get3A_315] : memref<100000xf32, #tpu.memory_space<vmem>>[vector<16xi32>], vector<16xf32>,
        %swap3A_321 = arith.index_cast %add3A_319 : i32 to index
        %swap3A_322 = arith.constant 80 : index
        %swap3A_323 = tpu.vector_load %arg8[%swap3A_321, %swap3A_322] {strides = array<i32>} : memref<32x128xf32, #tpu.memory_space<vmem>>, vector<16xf32>,
        tpu.vector_store %arg8[%swap3A_321, %swap3A_322], %gather3A_320 {strides = array<i32>} : memref<32x128xf32, #tpu.memory_space<vmem>>, vector<16xf32>,
        %add3A_324 = arith.constant 224 : i32
        %add3A_325 = arith.addi %multiple_of3A_158, %add3A_324 : i32
        %get3A_326 = arith.index_cast %add3A_325 : i32 to index
        %get3A_327 = tpu.vector_load %arg6[%get3A_326] {strides = array<i32>} : memref<4096xi32, #tpu.memory_space<vmem>>, vector<16xi32>,
        %mul3A_328 = arith.constant 2 : i32
        %mul3A_329 = arith.muli %mul3A_328, %scan3A_155 : i32
        %add3A_330 = arith.constant 1 : i32
        %add3A_331 = arith.addi %mul3A_329, %add3A_330 : i32
        %gather3A_332 = tpu.vector_load_idx %arg5[%get3A_327] : memref<100000xf32, #tpu.memory_space<vmem>>[vector<16xi32>], vector<16xf32>,
        %swap3A_333 = arith.index_cast %add3A_331 : i32 to index
        %swap3A_334 = arith.constant 96 : index
        %swap3A_335 = tpu.vector_load %arg8[%swap3A_333, %swap3A_334] {strides = array<i32>} : memref<32x128xf32, #tpu.memory_space<vmem>>, vector<16xf32>,
        tpu.vector_store %arg8[%swap3A_333, %swap3A_334], %gather3A_332 {strides = array<i32>} : memref<32x128xf32, #tpu.memory_space<vmem>>, vector<16xf32>,
        %add3A_336 = arith.constant 240 : i32
        %add3A_337 = arith.addi %multiple_of3A_158, %add3A_336 : i32
        %get3A_338 = arith.index_cast %add3A_337 : i32 to index
        %get3A_339 = tpu.vector_load %arg6[%get3A_338] {strides = array<i32>} : memref<4096xi32, #tpu.memory_space<vmem>>, vector<16xi32>,
        %mul3A_340 = arith.constant 2 : i32
        %mul3A_341 = arith.muli %mul3A_340, %scan3A_155 : i32
        %add3A_342 = arith.constant 1 : i32
        %add3A_343 = arith.addi %mul3A_341, %add3A_342 : i32
        %gather3A_344 = tpu.vector_load_idx %arg5[%get3A_339] : memref<100000xf32, #tpu.memory_space<vmem>>[vector<16xi32>], vector<16xf32>,
        %swap3A_345 = arith.index_cast %add3A_343 : i32 to index
        %swap3A_346 = arith.constant 112 : index
        %swap3A_347 = tpu.vector_load %arg8[%swap3A_345, %swap3A_346] {strides = array<i32>} : memref<32x128xf32, #tpu.memory_space<vmem>>, vector<16xf32>,
        tpu.vector_store %arg8[%swap3A_345, %swap3A_346], %gather3A_344 {strides = array<i32>} : memref<32x128xf32, #tpu.memory_space<vmem>>, vector<16xf32>,
      }
      %scan3A_91 = arith.constant 16 : i32
      %add3A_92 = arith.constant 2 : i32
      %add3A_93 = arith.addi %mul3A_69, %add3A_92 : i32
      %lt3A = arith.constant 100 : i32
      %lt3A_94 = arith.cmpi slt, %add3A_93, %lt3A : i32
      %convert_element_type3A_95 = arith.extui %lt3A_94 : i1 to i32
      %cond3A_96 = arith.constant 0 : i32
      %cond3A_97 = arith.cmpi ne, %convert_element_type3A_95, %cond3A_96 : i32
      scf.if %cond3A_97 {
        %add3A_155 = arith.constant 2 : i32
        %add3A_156 = arith.addi %mul3A_69, %add3A_155 : i32
        %shift_right_logical3A_157 = arith.constant 2 : i32
        %shift_right_logical3A_158 = arith.shrui %add3A_156, %shift_right_logical3A_157 : i32
        %add3A_159 = arith.addi %mul3A_0, %shift_right_logical3A_158 : i32
        %and3A_160 = arith.constant 3 : i32
        %and3A_161 = arith.andi %add3A_156, %and3A_160 : i32
        %shift_left3A_162 = arith.constant 12 : i32
        %shift_left3A_163 = arith.shli %and3A_161, %shift_left3A_162 : i32
        %multiple_of3A_164 = tpu.assume_multiple %shift_left3A_163, 8 : i32
        %dma_start3A_165 = tpu.memref_slice %arg2[%add3A_159, %multiple_of3A_164] : memref<50x16384xi32, #tpu.memory_space<hbm>> -> memref<1x4096xi32, #tpu.memory_space<hbm>>
        %dma_start3A_166 = tpu.memref_squeeze %dma_start3A_165 : memref<1x4096xi32, #tpu.memory_space<hbm>> -> memref<4096xi32, #tpu.memory_space<hbm>>
        %dma_start3A_167 = tpu.memref_slice %arg2[%add3A_159, %multiple_of3A_164] : memref<50x16384xi32, #tpu.memory_space<hbm>> -> memref<1x4096xi32, #tpu.memory_space<hbm>>
        %dma_start3A_168 = tpu.memref_squeeze %dma_start3A_167 : memref<1x4096xi32, #tpu.memory_space<hbm>> -> memref<4096xi32, #tpu.memory_space<hbm>>
        tpu.enqueue_dma source(%dma_start3A_168 : memref<4096xi32, #tpu.memory_space<hbm>>) target(%arg6 : memref<4096xi32, #tpu.memory_space<vmem>>) target_semaphore(%arg10 : memref<!tpu.dma_semaphore, #tpu.memory_space<semaphore_mem>>)
      } else {
      }
      %shift_right_logical3A_98 = arith.constant 2 : i32
      %shift_right_logical3A_99 = arith.shrui %mul3A_69, %shift_right_logical3A_98 : i32
      %add3A_100 = arith.addi %mul3A_0, %shift_right_logical3A_99 : i32
      %and3A_101 = arith.constant 3 : i32
      %and3A_102 = arith.andi %mul3A_69, %and3A_101 : i32
      %shift_left3A_103 = arith.constant 12 : i32
      %shift_left3A_104 = arith.shli %and3A_102, %shift_left3A_103 : i32
      %multiple_of3A_105 = tpu.assume_multiple %shift_left3A_104, 8 : i32
      %shift_right_logical3A_106 = arith.constant 7 : i32
      %shift_right_logical3A_107 = arith.shrui %multiple_of3A_105, %shift_right_logical3A_106 : i32
      %dma_start3A_108 = arith.constant 0 : i32
      %dma_start3A_109 = tpu.memref_slice %arg4[%add3A_100, %shift_right_logical3A_1, %shift_right_logical3A_107, %and3A_2, %dma_start3A_108] : memref<50x2x128x8x128xf32, #tpu.memory_space<hbm>> -> memref<1x1x32x1x128xf32, #tpu.memory_space<hbm>>
      %dma_start3A_110 = tpu.memref_squeeze %dma_start3A_109 : memref<1x1x32x1x128xf32, #tpu.memory_space<hbm>> -> memref<32x128xf32, #tpu.memory_space<hbm>>
      %dma_start3A_111 = arith.constant 0 : i32
      %dma_start3A_112 = tpu.memref_slice %arg4[%add3A_100, %shift_right_logical3A_1, %shift_right_logical3A_107, %and3A_2, %dma_start3A_111] : memref<50x2x128x8x128xf32, #tpu.memory_space<hbm>> -> memref<1x1x32x1x128xf32, #tpu.memory_space<hbm>>
      %dma_start3A_113 = tpu.memref_squeeze %dma_start3A_112 : memref<1x1x32x1x128xf32, #tpu.memory_space<hbm>> -> memref<32x128xf32, #tpu.memory_space<hbm>>
      tpu.enqueue_dma source(%arg8 : memref<32x128xf32, #tpu.memory_space<vmem>>) target(%dma_start3A_113 : memref<32x128xf32, #tpu.memory_space<hbm>>) target_semaphore(%arg12 : memref<!tpu.dma_semaphore, #tpu.memory_space<semaphore_mem>>)
      %shift_right_logical3A_114 = arith.constant 2 : i32
      %shift_right_logical3A_115 = arith.shrui %add3A_71, %shift_right_logical3A_114 : i32
      %add3A_116 = arith.addi %mul3A_0, %shift_right_logical3A_115 : i32
      %and3A_117 = arith.constant 3 : i32
      %and3A_118 = arith.andi %add3A_71, %and3A_117 : i32
      %shift_left3A_119 = arith.constant 12 : i32
      %shift_left3A_120 = arith.shli %and3A_118, %shift_left3A_119 : i32
      %multiple_of3A_121 = tpu.assume_multiple %shift_left3A_120, 8 : i32
      %dma_wait3A_122 = tpu.memref_slice %arg2[%add3A_116, %multiple_of3A_121] : memref<50x16384xi32, #tpu.memory_space<hbm>> -> memref<1x4096xi32, #tpu.memory_space<hbm>>
      %dma_wait3A_123 = tpu.memref_squeeze %dma_wait3A_122 : memref<1x4096xi32, #tpu.memory_space<hbm>> -> memref<4096xi32, #tpu.memory_space<hbm>>
      %dma_wait3A_124 = tpu.memref_slice %arg2[%add3A_116, %multiple_of3A_121] : memref<50x16384xi32, #tpu.memory_space<hbm>> -> memref<1x4096xi32, #tpu.memory_space<hbm>>
      %dma_wait3A_125 = tpu.memref_squeeze %dma_wait3A_124 : memref<1x4096xi32, #tpu.memory_space<hbm>> -> memref<4096xi32, #tpu.memory_space<hbm>>
      tpu.wait_dma2 semaphore(%arg11 : memref<!tpu.dma_semaphore, #tpu.memory_space<semaphore_mem>>) src(%dma_wait3A_125 : memref<4096xi32, #tpu.memory_space<hbm>>) dst(%arg7 : memref<4096xi32, #tpu.memory_space<vmem>>)
      %scan3A_126 = arith.constant 0 : i32
      %scan3A_127 = arith.constant 0 : i32
      %scan3A_128 = arith.constant 16 : i32
      %scan3A_129 = arith.addi %scan3A_127, %scan3A_128 : i32
      %scan3A_130 = arith.constant 1 : i32
      scf.for %scan3A_155 = %scan3A_127 to %scan3A_129 step %scan3A_130  : i32 {
        %mul3A_156 = arith.constant 256 : i32
        %mul3A_157 = arith.muli %scan3A_155, %mul3A_156 : i32
        %multiple_of3A_158 = tpu.assume_multiple %mul3A_157, 8 : i32
        %add3A_159 = arith.constant 0 : i32
        %add3A_160 = arith.addi %multiple_of3A_158, %add3A_159 : i32
        %get3A = arith.index_cast %add3A_160 : i32 to index
        %get3A_161 = tpu.vector_load %arg7[%get3A] {strides = array<i32>} : memref<4096xi32, #tpu.memory_space<vmem>>, vector<16xi32>,
        %mul3A_162 = arith.constant 2 : i32
        %mul3A_163 = arith.muli %mul3A_162, %scan3A_155 : i32
        %add3A_164 = arith.constant 0 : i32
        %add3A_165 = arith.addi %mul3A_163, %add3A_164 : i32
        %gather3A = tpu.vector_load_idx %arg5[%get3A_161] : memref<100000xf32, #tpu.memory_space<vmem>>[vector<16xi32>], vector<16xf32>,
        %swap3A = arith.index_cast %add3A_165 : i32 to index
        %swap3A_166 = arith.constant 0 : index
        %swap3A_167 = tpu.vector_load %arg9[%swap3A, %swap3A_166] {strides = array<i32>} : memref<32x128xf32, #tpu.memory_space<vmem>>, vector<16xf32>,
        tpu.vector_store %arg9[%swap3A, %swap3A_166], %gather3A {strides = array<i32>} : memref<32x128xf32, #tpu.memory_space<vmem>>, vector<16xf32>,
        %add3A_168 = arith.constant 16 : i32
        %add3A_169 = arith.addi %multiple_of3A_158, %add3A_168 : i32
        %get3A_170 = arith.index_cast %add3A_169 : i32 to index
        %get3A_171 = tpu.vector_load %arg7[%get3A_170] {strides = array<i32>} : memref<4096xi32, #tpu.memory_space<vmem>>, vector<16xi32>,
        %mul3A_172 = arith.constant 2 : i32
        %mul3A_173 = arith.muli %mul3A_172, %scan3A_155 : i32
        %add3A_174 = arith.constant 0 : i32
        %add3A_175 = arith.addi %mul3A_173, %add3A_174 : i32
        %gather3A_176 = tpu.vector_load_idx %arg5[%get3A_171] : memref<100000xf32, #tpu.memory_space<vmem>>[vector<16xi32>], vector<16xf32>,
        %swap3A_177 = arith.index_cast %add3A_175 : i32 to index
        %swap3A_178 = arith.constant 16 : index
        %swap3A_179 = tpu.vector_load %arg9[%swap3A_177, %swap3A_178] {strides = array<i32>} : memref<32x128xf32, #tpu.memory_space<vmem>>, vector<16xf32>,
        tpu.vector_store %arg9[%swap3A_177, %swap3A_178], %gather3A_176 {strides = array<i32>} : memref<32x128xf32, #tpu.memory_space<vmem>>, vector<16xf32>,
        %add3A_180 = arith.constant 32 : i32
        %add3A_181 = arith.addi %multiple_of3A_158, %add3A_180 : i32
        %get3A_182 = arith.index_cast %add3A_181 : i32 to index
        %get3A_183 = tpu.vector_load %arg7[%get3A_182] {strides = array<i32>} : memref<4096xi32, #tpu.memory_space<vmem>>, vector<16xi32>,
        %mul3A_184 = arith.constant 2 : i32
        %mul3A_185 = arith.muli %mul3A_184, %scan3A_155 : i32
        %add3A_186 = arith.constant 0 : i32
        %add3A_187 = arith.addi %mul3A_185, %add3A_186 : i32
        %gather3A_188 = tpu.vector_load_idx %arg5[%get3A_183] : memref<100000xf32, #tpu.memory_space<vmem>>[vector<16xi32>], vector<16xf32>,
        %swap3A_189 = arith.index_cast %add3A_187 : i32 to index
        %swap3A_190 = arith.constant 32 : index
        %swap3A_191 = tpu.vector_load %arg9[%swap3A_189, %swap3A_190] {strides = array<i32>} : memref<32x128xf32, #tpu.memory_space<vmem>>, vector<16xf32>,
        tpu.vector_store %arg9[%swap3A_189, %swap3A_190], %gather3A_188 {strides = array<i32>} : memref<32x128xf32, #tpu.memory_space<vmem>>, vector<16xf32>,
        %add3A_192 = arith.constant 48 : i32
        %add3A_193 = arith.addi %multiple_of3A_158, %add3A_192 : i32
        %get3A_194 = arith.index_cast %add3A_193 : i32 to index
        %get3A_195 = tpu.vector_load %arg7[%get3A_194] {strides = array<i32>} : memref<4096xi32, #tpu.memory_space<vmem>>, vector<16xi32>,
        %mul3A_196 = arith.constant 2 : i32
        %mul3A_197 = arith.muli %mul3A_196, %scan3A_155 : i32
        %add3A_198 = arith.constant 0 : i32
        %add3A_199 = arith.addi %mul3A_197, %add3A_198 : i32
        %gather3A_200 = tpu.vector_load_idx %arg5[%get3A_195] : memref<100000xf32, #tpu.memory_space<vmem>>[vector<16xi32>], vector<16xf32>,
        %swap3A_201 = arith.index_cast %add3A_199 : i32 to index
        %swap3A_202 = arith.constant 48 : index
        %swap3A_203 = tpu.vector_load %arg9[%swap3A_201, %swap3A_202] {strides = array<i32>} : memref<32x128xf32, #tpu.memory_space<vmem>>, vector<16xf32>,
        tpu.vector_store %arg9[%swap3A_201, %swap3A_202], %gather3A_200 {strides = array<i32>} : memref<32x128xf32, #tpu.memory_space<vmem>>, vector<16xf32>,
        %add3A_204 = arith.constant 64 : i32
        %add3A_205 = arith.addi %multiple_of3A_158, %add3A_204 : i32
        %get3A_206 = arith.index_cast %add3A_205 : i32 to index
        %get3A_207 = tpu.vector_load %arg7[%get3A_206] {strides = array<i32>} : memref<4096xi32, #tpu.memory_space<vmem>>, vector<16xi32>,
        %mul3A_208 = arith.constant 2 : i32
        %mul3A_209 = arith.muli %mul3A_208, %scan3A_155 : i32
        %add3A_210 = arith.constant 0 : i32
        %add3A_211 = arith.addi %mul3A_209, %add3A_210 : i32
        %gather3A_212 = tpu.vector_load_idx %arg5[%get3A_207] : memref<100000xf32, #tpu.memory_space<vmem>>[vector<16xi32>], vector<16xf32>,
        %swap3A_213 = arith.index_cast %add3A_211 : i32 to index
        %swap3A_214 = arith.constant 64 : index
        %swap3A_215 = tpu.vector_load %arg9[%swap3A_213, %swap3A_214] {strides = array<i32>} : memref<32x128xf32, #tpu.memory_space<vmem>>, vector<16xf32>,
        tpu.vector_store %arg9[%swap3A_213, %swap3A_214], %gather3A_212 {strides = array<i32>} : memref<32x128xf32, #tpu.memory_space<vmem>>, vector<16xf32>,
        %add3A_216 = arith.constant 80 : i32
        %add3A_217 = arith.addi %multiple_of3A_158, %add3A_216 : i32
        %get3A_218 = arith.index_cast %add3A_217 : i32 to index
        %get3A_219 = tpu.vector_load %arg7[%get3A_218] {strides = array<i32>} : memref<4096xi32, #tpu.memory_space<vmem>>, vector<16xi32>,
        %mul3A_220 = arith.constant 2 : i32
        %mul3A_221 = arith.muli %mul3A_220, %scan3A_155 : i32
        %add3A_222 = arith.constant 0 : i32
        %add3A_223 = arith.addi %mul3A_221, %add3A_222 : i32
        %gather3A_224 = tpu.vector_load_idx %arg5[%get3A_219] : memref<100000xf32, #tpu.memory_space<vmem>>[vector<16xi32>], vector<16xf32>,
        %swap3A_225 = arith.index_cast %add3A_223 : i32 to index
        %swap3A_226 = arith.constant 80 : index
        %swap3A_227 = tpu.vector_load %arg9[%swap3A_225, %swap3A_226] {strides = array<i32>} : memref<32x128xf32, #tpu.memory_space<vmem>>, vector<16xf32>,
        tpu.vector_store %arg9[%swap3A_225, %swap3A_226], %gather3A_224 {strides = array<i32>} : memref<32x128xf32, #tpu.memory_space<vmem>>, vector<16xf32>,
        %add3A_228 = arith.constant 96 : i32
        %add3A_229 = arith.addi %multiple_of3A_158, %add3A_228 : i32
        %get3A_230 = arith.index_cast %add3A_229 : i32 to index
        %get3A_231 = tpu.vector_load %arg7[%get3A_230] {strides = array<i32>} : memref<4096xi32, #tpu.memory_space<vmem>>, vector<16xi32>,
        %mul3A_232 = arith.constant 2 : i32
        %mul3A_233 = arith.muli %mul3A_232, %scan3A_155 : i32
        %add3A_234 = arith.constant 0 : i32
        %add3A_235 = arith.addi %mul3A_233, %add3A_234 : i32
        %gather3A_236 = tpu.vector_load_idx %arg5[%get3A_231] : memref<100000xf32, #tpu.memory_space<vmem>>[vector<16xi32>], vector<16xf32>,
        %swap3A_237 = arith.index_cast %add3A_235 : i32 to index
        %swap3A_238 = arith.constant 96 : index
        %swap3A_239 = tpu.vector_load %arg9[%swap3A_237, %swap3A_238] {strides = array<i32>} : memref<32x128xf32, #tpu.memory_space<vmem>>, vector<16xf32>,
        tpu.vector_store %arg9[%swap3A_237, %swap3A_238], %gather3A_236 {strides = array<i32>} : memref<32x128xf32, #tpu.memory_space<vmem>>, vector<16xf32>,
        %add3A_240 = arith.constant 112 : i32
        %add3A_241 = arith.addi %multiple_of3A_158, %add3A_240 : i32
        %get3A_242 = arith.index_cast %add3A_241 : i32 to index
        %get3A_243 = tpu.vector_load %arg7[%get3A_242] {strides = array<i32>} : memref<4096xi32, #tpu.memory_space<vmem>>, vector<16xi32>,
        %mul3A_244 = arith.constant 2 : i32
        %mul3A_245 = arith.muli %mul3A_244, %scan3A_155 : i32
        %add3A_246 = arith.constant 0 : i32
        %add3A_247 = arith.addi %mul3A_245, %add3A_246 : i32
        %gather3A_248 = tpu.vector_load_idx %arg5[%get3A_243] : memref<100000xf32, #tpu.memory_space<vmem>>[vector<16xi32>], vector<16xf32>,
        %swap3A_249 = arith.index_cast %add3A_247 : i32 to index
        %swap3A_250 = arith.constant 112 : index
        %swap3A_251 = tpu.vector_load %arg9[%swap3A_249, %swap3A_250] {strides = array<i32>} : memref<32x128xf32, #tpu.memory_space<vmem>>, vector<16xf32>,
        tpu.vector_store %arg9[%swap3A_249, %swap3A_250], %gather3A_248 {strides = array<i32>} : memref<32x128xf32, #tpu.memory_space<vmem>>, vector<16xf32>,
        %add3A_252 = arith.constant 128 : i32
        %add3A_253 = arith.addi %multiple_of3A_158, %add3A_252 : i32
        %get3A_254 = arith.index_cast %add3A_253 : i32 to index
        %get3A_255 = tpu.vector_load %arg7[%get3A_254] {strides = array<i32>} : memref<4096xi32, #tpu.memory_space<vmem>>, vector<16xi32>,
        %mul3A_256 = arith.constant 2 : i32
        %mul3A_257 = arith.muli %mul3A_256, %scan3A_155 : i32
        %add3A_258 = arith.constant 1 : i32
        %add3A_259 = arith.addi %mul3A_257, %add3A_258 : i32
        %gather3A_260 = tpu.vector_load_idx %arg5[%get3A_255] : memref<100000xf32, #tpu.memory_space<vmem>>[vector<16xi32>], vector<16xf32>,
        %swap3A_261 = arith.index_cast %add3A_259 : i32 to index
        %swap3A_262 = arith.constant 0 : index
        %swap3A_263 = tpu.vector_load %arg9[%swap3A_261, %swap3A_262] {strides = array<i32>} : memref<32x128xf32, #tpu.memory_space<vmem>>, vector<16xf32>,
        tpu.vector_store %arg9[%swap3A_261, %swap3A_262], %gather3A_260 {strides = array<i32>} : memref<32x128xf32, #tpu.memory_space<vmem>>, vector<16xf32>,
        %add3A_264 = arith.constant 144 : i32
        %add3A_265 = arith.addi %multiple_of3A_158, %add3A_264 : i32
        %get3A_266 = arith.index_cast %add3A_265 : i32 to index
        %get3A_267 = tpu.vector_load %arg7[%get3A_266] {strides = array<i32>} : memref<4096xi32, #tpu.memory_space<vmem>>, vector<16xi32>,
        %mul3A_268 = arith.constant 2 : i32
        %mul3A_269 = arith.muli %mul3A_268, %scan3A_155 : i32
        %add3A_270 = arith.constant 1 : i32
        %add3A_271 = arith.addi %mul3A_269, %add3A_270 : i32
        %gather3A_272 = tpu.vector_load_idx %arg5[%get3A_267] : memref<100000xf32, #tpu.memory_space<vmem>>[vector<16xi32>], vector<16xf32>,
        %swap3A_273 = arith.index_cast %add3A_271 : i32 to index
        %swap3A_274 = arith.constant 16 : index
        %swap3A_275 = tpu.vector_load %arg9[%swap3A_273, %swap3A_274] {strides = array<i32>} : memref<32x128xf32, #tpu.memory_space<vmem>>, vector<16xf32>,
        tpu.vector_store %arg9[%swap3A_273, %swap3A_274], %gather3A_272 {strides = array<i32>} : memref<32x128xf32, #tpu.memory_space<vmem>>, vector<16xf32>,
        %add3A_276 = arith.constant 160 : i32
        %add3A_277 = arith.addi %multiple_of3A_158, %add3A_276 : i32
        %get3A_278 = arith.index_cast %add3A_277 : i32 to index
        %get3A_279 = tpu.vector_load %arg7[%get3A_278] {strides = array<i32>} : memref<4096xi32, #tpu.memory_space<vmem>>, vector<16xi32>,
        %mul3A_280 = arith.constant 2 : i32
        %mul3A_281 = arith.muli %mul3A_280, %scan3A_155 : i32
        %add3A_282 = arith.constant 1 : i32
        %add3A_283 = arith.addi %mul3A_281, %add3A_282 : i32
        %gather3A_284 = tpu.vector_load_idx %arg5[%get3A_279] : memref<100000xf32, #tpu.memory_space<vmem>>[vector<16xi32>], vector<16xf32>,
        %swap3A_285 = arith.index_cast %add3A_283 : i32 to index
        %swap3A_286 = arith.constant 32 : index
        %swap3A_287 = tpu.vector_load %arg9[%swap3A_285, %swap3A_286] {strides = array<i32>} : memref<32x128xf32, #tpu.memory_space<vmem>>, vector<16xf32>,
        tpu.vector_store %arg9[%swap3A_285, %swap3A_286], %gather3A_284 {strides = array<i32>} : memref<32x128xf32, #tpu.memory_space<vmem>>, vector<16xf32>,
        %add3A_288 = arith.constant 176 : i32
        %add3A_289 = arith.addi %multiple_of3A_158, %add3A_288 : i32
        %get3A_290 = arith.index_cast %add3A_289 : i32 to index
        %get3A_291 = tpu.vector_load %arg7[%get3A_290] {strides = array<i32>} : memref<4096xi32, #tpu.memory_space<vmem>>, vector<16xi32>,
        %mul3A_292 = arith.constant 2 : i32
        %mul3A_293 = arith.muli %mul3A_292, %scan3A_155 : i32
        %add3A_294 = arith.constant 1 : i32
        %add3A_295 = arith.addi %mul3A_293, %add3A_294 : i32
        %gather3A_296 = tpu.vector_load_idx %arg5[%get3A_291] : memref<100000xf32, #tpu.memory_space<vmem>>[vector<16xi32>], vector<16xf32>,
        %swap3A_297 = arith.index_cast %add3A_295 : i32 to index
        %swap3A_298 = arith.constant 48 : index
        %swap3A_299 = tpu.vector_load %arg9[%swap3A_297, %swap3A_298] {strides = array<i32>} : memref<32x128xf32, #tpu.memory_space<vmem>>, vector<16xf32>,
        tpu.vector_store %arg9[%swap3A_297, %swap3A_298], %gather3A_296 {strides = array<i32>} : memref<32x128xf32, #tpu.memory_space<vmem>>, vector<16xf32>,
        %add3A_300 = arith.constant 192 : i32
        %add3A_301 = arith.addi %multiple_of3A_158, %add3A_300 : i32
        %get3A_302 = arith.index_cast %add3A_301 : i32 to index
        %get3A_303 = tpu.vector_load %arg7[%get3A_302] {strides = array<i32>} : memref<4096xi32, #tpu.memory_space<vmem>>, vector<16xi32>,
        %mul3A_304 = arith.constant 2 : i32
        %mul3A_305 = arith.muli %mul3A_304, %scan3A_155 : i32
        %add3A_306 = arith.constant 1 : i32
        %add3A_307 = arith.addi %mul3A_305, %add3A_306 : i32
        %gather3A_308 = tpu.vector_load_idx %arg5[%get3A_303] : memref<100000xf32, #tpu.memory_space<vmem>>[vector<16xi32>], vector<16xf32>,
        %swap3A_309 = arith.index_cast %add3A_307 : i32 to index
        %swap3A_310 = arith.constant 64 : index
        %swap3A_311 = tpu.vector_load %arg9[%swap3A_309, %swap3A_310] {strides = array<i32>} : memref<32x128xf32, #tpu.memory_space<vmem>>, vector<16xf32>,
        tpu.vector_store %arg9[%swap3A_309, %swap3A_310], %gather3A_308 {strides = array<i32>} : memref<32x128xf32, #tpu.memory_space<vmem>>, vector<16xf32>,
        %add3A_312 = arith.constant 208 : i32
        %add3A_313 = arith.addi %multiple_of3A_158, %add3A_312 : i32
        %get3A_314 = arith.index_cast %add3A_313 : i32 to index
        %get3A_315 = tpu.vector_load %arg7[%get3A_314] {strides = array<i32>} : memref<4096xi32, #tpu.memory_space<vmem>>, vector<16xi32>,
        %mul3A_316 = arith.constant 2 : i32
        %mul3A_317 = arith.muli %mul3A_316, %scan3A_155 : i32
        %add3A_318 = arith.constant 1 : i32
        %add3A_319 = arith.addi %mul3A_317, %add3A_318 : i32
        %gather3A_320 = tpu.vector_load_idx %arg5[%get3A_315] : memref<100000xf32, #tpu.memory_space<vmem>>[vector<16xi32>], vector<16xf32>,
        %swap3A_321 = arith.index_cast %add3A_319 : i32 to index
        %swap3A_322 = arith.constant 80 : index
        %swap3A_323 = tpu.vector_load %arg9[%swap3A_321, %swap3A_322] {strides = array<i32>} : memref<32x128xf32, #tpu.memory_space<vmem>>, vector<16xf32>,
        tpu.vector_store %arg9[%swap3A_321, %swap3A_322], %gather3A_320 {strides = array<i32>} : memref<32x128xf32, #tpu.memory_space<vmem>>, vector<16xf32>,
        %add3A_324 = arith.constant 224 : i32
        %add3A_325 = arith.addi %multiple_of3A_158, %add3A_324 : i32
        %get3A_326 = arith.index_cast %add3A_325 : i32 to index
        %get3A_327 = tpu.vector_load %arg7[%get3A_326] {strides = array<i32>} : memref<4096xi32, #tpu.memory_space<vmem>>, vector<16xi32>,
        %mul3A_328 = arith.constant 2 : i32
        %mul3A_329 = arith.muli %mul3A_328, %scan3A_155 : i32
        %add3A_330 = arith.constant 1 : i32
        %add3A_331 = arith.addi %mul3A_329, %add3A_330 : i32
        %gather3A_332 = tpu.vector_load_idx %arg5[%get3A_327] : memref<100000xf32, #tpu.memory_space<vmem>>[vector<16xi32>], vector<16xf32>,
        %swap3A_333 = arith.index_cast %add3A_331 : i32 to index
        %swap3A_334 = arith.constant 96 : index
        %swap3A_335 = tpu.vector_load %arg9[%swap3A_333, %swap3A_334] {strides = array<i32>} : memref<32x128xf32, #tpu.memory_space<vmem>>, vector<16xf32>,
        tpu.vector_store %arg9[%swap3A_333, %swap3A_334], %gather3A_332 {strides = array<i32>} : memref<32x128xf32, #tpu.memory_space<vmem>>, vector<16xf32>,
        %add3A_336 = arith.constant 240 : i32
        %add3A_337 = arith.addi %multiple_of3A_158, %add3A_336 : i32
        %get3A_338 = arith.index_cast %add3A_337 : i32 to index
        %get3A_339 = tpu.vector_load %arg7[%get3A_338] {strides = array<i32>} : memref<4096xi32, #tpu.memory_space<vmem>>, vector<16xi32>,
        %mul3A_340 = arith.constant 2 : i32
        %mul3A_341 = arith.muli %mul3A_340, %scan3A_155 : i32
        %add3A_342 = arith.constant 1 : i32
        %add3A_343 = arith.addi %mul3A_341, %add3A_342 : i32
        %gather3A_344 = tpu.vector_load_idx %arg5[%get3A_339] : memref<100000xf32, #tpu.memory_space<vmem>>[vector<16xi32>], vector<16xf32>,
        %swap3A_345 = arith.index_cast %add3A_343 : i32 to index
        %swap3A_346 = arith.constant 112 : index
        %swap3A_347 = tpu.vector_load %arg9[%swap3A_345, %swap3A_346] {strides = array<i32>} : memref<32x128xf32, #tpu.memory_space<vmem>>, vector<16xf32>,
        tpu.vector_store %arg9[%swap3A_345, %swap3A_346], %gather3A_344 {strides = array<i32>} : memref<32x128xf32, #tpu.memory_space<vmem>>, vector<16xf32>,
      }
      %scan3A_131 = arith.constant 16 : i32
      %add3A_132 = arith.constant 2 : i32
      %add3A_133 = arith.addi %add3A_71, %add3A_132 : i32
      %lt3A_134 = arith.constant 100 : i32
      %lt3A_135 = arith.cmpi slt, %add3A_133, %lt3A_134 : i32
      %convert_element_type3A_136 = arith.extui %lt3A_135 : i1 to i32
      %cond3A_137 = arith.constant 0 : i32
      %cond3A_138 = arith.cmpi ne, %convert_element_type3A_136, %cond3A_137 : i32
      scf.if %cond3A_138 {
        %add3A_155 = arith.constant 2 : i32
        %add3A_156 = arith.addi %add3A_71, %add3A_155 : i32
        %shift_right_logical3A_157 = arith.constant 2 : i32
        %shift_right_logical3A_158 = arith.shrui %add3A_156, %shift_right_logical3A_157 : i32
        %add3A_159 = arith.addi %mul3A_0, %shift_right_logical3A_158 : i32
        %and3A_160 = arith.constant 3 : i32
        %and3A_161 = arith.andi %add3A_156, %and3A_160 : i32
        %shift_left3A_162 = arith.constant 12 : i32
        %shift_left3A_163 = arith.shli %and3A_161, %shift_left3A_162 : i32
        %multiple_of3A_164 = tpu.assume_multiple %shift_left3A_163, 8 : i32
        %dma_start3A_165 = tpu.memref_slice %arg2[%add3A_159, %multiple_of3A_164] : memref<50x16384xi32, #tpu.memory_space<hbm>> -> memref<1x4096xi32, #tpu.memory_space<hbm>>
        %dma_start3A_166 = tpu.memref_squeeze %dma_start3A_165 : memref<1x4096xi32, #tpu.memory_space<hbm>> -> memref<4096xi32, #tpu.memory_space<hbm>>
        %dma_start3A_167 = tpu.memref_slice %arg2[%add3A_159, %multiple_of3A_164] : memref<50x16384xi32, #tpu.memory_space<hbm>> -> memref<1x4096xi32, #tpu.memory_space<hbm>>
        %dma_start3A_168 = tpu.memref_squeeze %dma_start3A_167 : memref<1x4096xi32, #tpu.memory_space<hbm>> -> memref<4096xi32, #tpu.memory_space<hbm>>
        tpu.enqueue_dma source(%dma_start3A_168 : memref<4096xi32, #tpu.memory_space<hbm>>) target(%arg7 : memref<4096xi32, #tpu.memory_space<vmem>>) target_semaphore(%arg11 : memref<!tpu.dma_semaphore, #tpu.memory_space<semaphore_mem>>)
      } else {
      }
      %shift_right_logical3A_139 = arith.constant 2 : i32
      %shift_right_logical3A_140 = arith.shrui %add3A_71, %shift_right_logical3A_139 : i32
      %add3A_141 = arith.addi %mul3A_0, %shift_right_logical3A_140 : i32
      %and3A_142 = arith.constant 3 : i32
      %and3A_143 = arith.andi %add3A_71, %and3A_142 : i32
      %shift_left3A_144 = arith.constant 12 : i32
      %shift_left3A_145 = arith.shli %and3A_143, %shift_left3A_144 : i32
      %multiple_of3A_146 = tpu.assume_multiple %shift_left3A_145, 8 : i32
      %shift_right_logical3A_147 = arith.constant 7 : i32
      %shift_right_logical3A_148 = arith.shrui %multiple_of3A_146, %shift_right_logical3A_147 : i32
      %dma_start3A_149 = arith.constant 0 : i32
      %dma_start3A_150 = tpu.memref_slice %arg4[%add3A_141, %shift_right_logical3A_1, %shift_right_logical3A_148, %and3A_2, %dma_start3A_149] : memref<50x2x128x8x128xf32, #tpu.memory_space<hbm>> -> memref<1x1x32x1x128xf32, #tpu.memory_space<hbm>>
      %dma_start3A_151 = tpu.memref_squeeze %dma_start3A_150 : memref<1x1x32x1x128xf32, #tpu.memory_space<hbm>> -> memref<32x128xf32, #tpu.memory_space<hbm>>
      %dma_start3A_152 = arith.constant 0 : i32
      %dma_start3A_153 = tpu.memref_slice %arg4[%add3A_141, %shift_right_logical3A_1, %shift_right_logical3A_148, %and3A_2, %dma_start3A_152] : memref<50x2x128x8x128xf32, #tpu.memory_space<hbm>> -> memref<1x1x32x1x128xf32, #tpu.memory_space<hbm>>
      %dma_start3A_154 = tpu.memref_squeeze %dma_start3A_153 : memref<1x1x32x1x128xf32, #tpu.memory_space<hbm>> -> memref<32x128xf32, #tpu.memory_space<hbm>>
      tpu.enqueue_dma source(%arg9 : memref<32x128xf32, #tpu.memory_space<vmem>>) target(%dma_start3A_154 : memref<32x128xf32, #tpu.memory_space<hbm>>) target_semaphore(%arg13 : memref<!tpu.dma_semaphore, #tpu.memory_space<semaphore_mem>>)
    }
    %scan3A_31 = arith.constant 50 : i32
    %shift_right_logical3A_32 = arith.constant 98 : i32
    %shift_right_logical3A_33 = arith.constant 2 : i32
    %shift_right_logical3A_34 = arith.shrui %shift_right_logical3A_32, %shift_right_logical3A_33 : i32
    %add3A_35 = arith.addi %mul3A_0, %shift_right_logical3A_34 : i32
    %and3A_36 = arith.constant 98 : i32
    %and3A_37 = arith.constant 3 : i32
    %and3A_38 = arith.andi %and3A_36, %and3A_37 : i32
    %shift_left3A_39 = arith.constant 12 : i32
    %shift_left3A_40 = arith.shli %and3A_38, %shift_left3A_39 : i32
    %multiple_of3A_41 = tpu.assume_multiple %shift_left3A_40, 8 : i32
    %shift_right_logical3A_42 = arith.constant 7 : i32
    %shift_right_logical3A_43 = arith.shrui %multiple_of3A_41, %shift_right_logical3A_42 : i32
    %dma_wait3A = arith.constant 0 : i32
    %dma_wait3A_44 = tpu.memref_slice %arg4[%add3A_35, %shift_right_logical3A_1, %shift_right_logical3A_43, %and3A_2, %dma_wait3A] : memref<50x2x128x8x128xf32, #tpu.memory_space<hbm>> -> memref<1x1x32x1x128xf32, #tpu.memory_space<hbm>>
    %dma_wait3A_45 = tpu.memref_squeeze %dma_wait3A_44 : memref<1x1x32x1x128xf32, #tpu.memory_space<hbm>> -> memref<32x128xf32, #tpu.memory_space<hbm>>
    %dma_wait3A_46 = arith.constant 0 : i32
    %dma_wait3A_47 = tpu.memref_slice %arg4[%add3A_35, %shift_right_logical3A_1, %shift_right_logical3A_43, %and3A_2, %dma_wait3A_46] : memref<50x2x128x8x128xf32, #tpu.memory_space<hbm>> -> memref<1x1x32x1x128xf32, #tpu.memory_space<hbm>>
    %dma_wait3A_48 = tpu.memref_squeeze %dma_wait3A_47 : memref<1x1x32x1x128xf32, #tpu.memory_space<hbm>> -> memref<32x128xf32, #tpu.memory_space<hbm>>
    tpu.wait_dma2 semaphore(%arg12 : memref<!tpu.dma_semaphore, #tpu.memory_space<semaphore_mem>>) src(%arg8 : memref<32x128xf32, #tpu.memory_space<vmem>>) dst(%dma_wait3A_48 : memref<32x128xf32, #tpu.memory_space<hbm>>)
    %shift_right_logical3A_49 = arith.constant 99 : i32
    %shift_right_logical3A_50 = arith.constant 2 : i32
    %shift_right_logical3A_51 = arith.shrui %shift_right_logical3A_49, %shift_right_logical3A_50 : i32
    %add3A_52 = arith.addi %mul3A_0, %shift_right_logical3A_51 : i32
    %and3A_53 = arith.constant 99 : i32
    %and3A_54 = arith.constant 3 : i32
    %and3A_55 = arith.andi %and3A_53, %and3A_54 : i32
    %shift_left3A_56 = arith.constant 12 : i32
    %shift_left3A_57 = arith.shli %and3A_55, %shift_left3A_56 : i32
    %multiple_of3A_58 = tpu.assume_multiple %shift_left3A_57, 8 : i32
    %shift_right_logical3A_59 = arith.constant 7 : i32
    %shift_right_logical3A_60 = arith.shrui %multiple_of3A_58, %shift_right_logical3A_59 : i32
    %dma_wait3A_61 = arith.constant 0 : i32
    %dma_wait3A_62 = tpu.memref_slice %arg4[%add3A_52, %shift_right_logical3A_1, %shift_right_logical3A_60, %and3A_2, %dma_wait3A_61] : memref<50x2x128x8x128xf32, #tpu.memory_space<hbm>> -> memref<1x1x32x1x128xf32, #tpu.memory_space<hbm>>
    %dma_wait3A_63 = tpu.memref_squeeze %dma_wait3A_62 : memref<1x1x32x1x128xf32, #tpu.memory_space<hbm>> -> memref<32x128xf32, #tpu.memory_space<hbm>>
    %dma_wait3A_64 = arith.constant 0 : i32
    %dma_wait3A_65 = tpu.memref_slice %arg4[%add3A_52, %shift_right_logical3A_1, %shift_right_logical3A_60, %and3A_2, %dma_wait3A_64] : memref<50x2x128x8x128xf32, #tpu.memory_space<hbm>> -> memref<1x1x32x1x128xf32, #tpu.memory_space<hbm>>
    %dma_wait3A_66 = tpu.memref_squeeze %dma_wait3A_65 : memref<1x1x32x1x128xf32, #tpu.memory_space<hbm>> -> memref<32x128xf32, #tpu.memory_space<hbm>>
    tpu.wait_dma2 semaphore(%arg13 : memref<!tpu.dma_semaphore, #tpu.memory_space<semaphore_mem>>) src(%arg9 : memref<32x128xf32, #tpu.memory_space<vmem>>) dst(%dma_wait3A_66 : memref<32x128xf32, #tpu.memory_space<hbm>>)
    return
  }
}

</mosaic_0001>

<sc_bundles>
// kernel: kernel.3.cloned.1.call-start
scs
__scs_entry_jumppad:
0x0: {  	(pc) =	sbr.rel $0x88, $3  }
0x1: {  	(tag) =	ssettag $0x0;
	lr =	simm.s32 $0x1  }
0x2: {  	[smem:$0x3F9F] =	sst lr;
	_ =	strace $0xD0000000  }
0x3: {  	_ = 	snop  }
0x4: {  	_ = 	snop  }
0x5: {  	_ = 	snop  }
0x6: {  	_ = 	snop  }
0x7: {  	_ = 	snop  }
__scs_overlays_trampoline_lowered:
0x8: {  	[smem:$0x3FAE] =	sst s0  }
0x9: {  	[smem:$0x3FAF] =	sst s1  }
0xa: {  	[smem:$0x3FB0] =	sst s2  }
0xb: {  	[smem:$0x3FB1] =	sst s3  }
0xc: {  	[smem:$0x3FB2] =	sst s4  }
0xd: {  	[smem:$0x3FB3] =	sst s5  }
0xe: {  	[smem:$0x3FB4] =	sst s6  }
0xf: {  	[smem:$0x3FB5] =	sst s7  }
0x10: {  	[smem:$0x3FB6] =	sst s8  }
0x11: {  	[smem:$0x3FB7] =	sst s9;
	s0 =	simm.s32 @!p0 $0x0  }
0x12: {  	s1 =	sld [smem:$0x3F9D];
	s0 =	simm.s32 @p0 $0x1  }
0x13: {  	[smem:$0x3FB8] =	sst s0;
	s0 =	simm.s32 @!p1 $0x0  }
0x14: {  	s2 =	sld [smem:$0x3F9C];
	s0 =	simm.s32 @p1 $0x1  }
0x15: {  	[smem:$0x3FB9] =	sst s0;
	s0 =	simm.s32 @!p2 $0x0  }
0x16: {  	s3 =	sld [smem:$0x3FDB];
	s0 =	simm.s32 @p2 $0x1  }
0x17: {  	s4 =	simm.s32 $0x1BF5;
	[smem:$0x3FBB] =	sst s0  }
0x18: {  	s0 =	sld [smem:$0x3F9E];
	_ =	swait.ge [sflag:s4], $0x0  }
0x19: {  	s7 =	sld [smem:$0x3F9F]  }
0x1a: {  	s8 =	sadd.s32 $0xFFFFE003, lr  }
0x1b: {  	s9 =	sadd.s32 $0xFFFFFEF7, lr;
	s5 =	simm.s32 $0xFFFFFFFF;
	p2 =	slt.u32 s8, $0xFFFFF086  }
0x1c: {  	p1 =	slt.u32 s9, $0xF7A;
	s5 =	simm.s32 @!p2 $0x0  }
0x1d: {  	s5 =	simm.s32 @p1 $0x1;
	p0 =	seq.s32 s7, s2  }
0x1e: {  	s7 =	smul.u32 @!p0 $0xF7A, s2;
	p2 =	seq.s32 @!p0 s5, $0x0  }
0x1f: {  	s9 =	smul.u32 $0xF7A, s1;
	s8 =	simm.s32 @!p0 $0x1BF5;
	p2 =	por !p2, p0  }
0x20: {  	[sflag:s8] =	ssyncset.s32 @!p0 $0xFFFFF086;
	s6 =	sadd.s32 @!p0 s3, s7;
	s7 =	simm.s32 @!p0 $0x108  }
0x21: {  	s3 =	sadd.s32 s3, s9;
	s6 =	sadd.s32 @!p0 $0x88, s6;
	s7 =	simm.s32 @p2 $0x1082  }
0x22: {  	[simem:s7], [sflag:s8] =	dma.local @!p0 [hbm:s6], $0xF7A  }
0x23: {  	s9 =	sor.u32 $0xD0000000, s2;
	s6 =	simm.s32 $0x108;
	_ =	swait.ge @!p0 [sflag:s8], $0x0  }
0x24: {  	s3 =	sadd.s32 $0x88, s3;
	s6 =	simm.s32 @!p1 $0x1082;
	[sflag:s4] =	ssyncset.s32 $0xFFFFF086  }
0x25: {  	[simem:s6], [sflag:s4] =	dma.local [hbm:s3], $0xF7A  }
0x26: {  	[smem:$0x3F9F] =	sst s1;
	(tag) =	ssettag s2;
	_ =	strace s9  }
0x27: {  	s1 =	sld [smem:$0x3FAF]  }
0x28: {  	s2 =	sld [smem:$0x3FB0]  }
0x29: {  	s4 =	sld [smem:$0x3FB2]  }
0x2a: {  	p0 =	seq.s32 s5, $0x0;
	s5 =	sld [smem:$0x3FB3]  }
0x2b: {  	s6 =	sld [smem:$0x3FB4]  }
0x2c: {  	s7 =	sld [smem:$0x3FB5]  }
0x2d: {  	s3 =	simm.s32 $0x108;
	s8 =	sld [smem:$0x3FB6]  }
0x2e: {  	s3 =	simm.s32 @!p0 $0x1082;
	s9 =	sld [smem:$0x3FB7]  }
0x2f: {  	lr =	sadd.s32 s0, s3;
	s0 =	sld [smem:$0x3FAE]  }
0x30: {  	s3 =	sld [smem:$0x3FB1]  }
0x31: {  	[smem:$0x3FBA] =	sst s10  }
0x32: {  	s10 =	sld [smem:$0x3FB8];
	_ =	sdelay $0x3  }
0x33: {  	p0 =	seq.s32 s10, $0x1;
	s10 =	sld [smem:$0x3FBA];
	_ =	sdelay $0x3  }
0x34: {  	[smem:$0x3FBA] =	sst s10  }
0x35: {  	s10 =	sld [smem:$0x3FB9];
	_ =	sdelay $0x3  }
0x36: {  	p1 =	seq.s32 s10, $0x1;
	s10 =	sld [smem:$0x3FBA];
	_ =	sdelay $0x3  }
0x37: {  	[smem:$0x3FBA] =	sst s10  }
0x38: {  	s10 =	sld [smem:$0x3FBB]  }
0x39: {  	_ = 	snop;
	(pc) =	sbr.ind lr, $3  }
0x3a: {  	_ = 	snop  }
0x3b: {  	_ = 	snop  }
0x3c: {  	p2 =	seq.s32 s10, $0x1;
	s10 =	sld [smem:$0x3FBA]  }
0x3d: {  	_ =	shalt  }
0x3e: {  	_ =	shalt  }
0x3f: {  	_ =	shalt  }
0x40: {  	_ =	shalt  }
0x41: {  	_ =	shalt  }
0x42: {  	_ =	shalt  }
0x43: {  	_ =	shalt  }
0x44: {  	_ =	shalt  }
0x45: {  	_ =	shalt  }
0x46: {  	_ =	shalt  }
0x47: {  	_ =	shalt  }
0x48: {  	_ =	shalt  }
0x49: {  	_ =	shalt  }
0x4a: {  	_ =	shalt  }
0x4b: {  	_ =	shalt  }
0x4c: {  	_ =	shalt  }
0x4d: {  	_ =	shalt  }
0x4e: {  	_ =	shalt  }
0x4f: {  	_ =	shalt  }
0x50: {  	_ =	shalt  }
0x51: {  	_ =	shalt  }
0x52: {  	_ =	shalt  }
0x53: {  	_ =	shalt  }
0x54: {  	_ =	shalt  }
0x55: {  	_ =	shalt  }
0x56: {  	_ =	shalt  }
0x57: {  	_ =	shalt  }
0x58: {  	_ =	shalt  }
0x59: {  	_ =	shalt  }
0x5a: {  	_ =	shalt  }
0x5b: {  	_ =	shalt  }
0x5c: {  	_ =	shalt  }
0x5d: {  	_ =	shalt  }
0x5e: {  	_ =	shalt  }
0x5f: {  	_ =	shalt  }
0x60: {  	_ =	shalt  }
0x61: {  	_ =	shalt  }
0x62: {  	_ =	shalt  }
0x63: {  	_ =	shalt  }
0x64: {  	_ =	shalt  }
0x65: {  	_ =	shalt  }
0x66: {  	_ =	shalt  }
0x67: {  	_ =	shalt  }
0x68: {  	_ =	shalt  }
0x69: {  	_ =	shalt  }
0x6a: {  	_ =	shalt  }
0x6b: {  	_ =	shalt  }
0x6c: {  	_ =	shalt  }
0x6d: {  	_ =	shalt  }
0x6e: {  	_ =	shalt  }
0x6f: {  	_ =	shalt  }
0x70: {  	_ =	shalt  }
0x71: {  	_ =	shalt  }
0x72: {  	_ =	shalt  }
0x73: {  	_ =	shalt  }
0x74: {  	_ =	shalt  }
0x75: {  	_ =	shalt  }
0x76: {  	_ =	shalt  }
0x77: {  	_ =	shalt  }
0x78: {  	_ =	shalt  }
0x79: {  	_ =	shalt  }
0x7a: {  	_ =	shalt  }
0x7b: {  	_ =	shalt  }
0x7c: {  	_ =	shalt  }
0x7d: {  	_ =	shalt  }
0x7e: {  	_ =	shalt  }
0x7f: {  	_ =	shalt  }
0x80: {  	_ =	shalt  }
0x81: {  	_ =	shalt  }
0x82: {  	_ =	shalt  }
0x83: {  	_ =	shalt  }
0x84: {  	_ =	shalt  }
0x85: {  	_ =	shalt  }
0x86: {  	_ =	shalt  }
0x87: {  	_ =	shalt  }
.Lfunc_end0:
.L_simem_size_0:
called_computation_lowered:
.L_overlay_start_0:
0x88: {  	s2 =	sld [smem:$0x3FD9]  }
0x89: {  	s3 =	sld [smem:$0x3FFE];
	_ =	sdelay $0x1  }
0x8a: {  	s1 =	srdreg.scid  }
0x8b: {  	s0 =	sand.u32 $0x1, s1  }
0x8c: {  	s17 =	sshll.u32 s0, $0xA;
	s2 =	sadd.s32 s3, s2  }
0x8d: {  	s2 =	sadd.s32 s2, s17  }
0x8e: {  	[smem:$0x3FC6] =	sst s2  }
0x8f: {  	_ = 	snop  }
0x90: {  	s2 =	sld [smem:$0x3FD0];
	(tm) =	ssettm $0x1  }
0x91: {  	s18 =	sld [smem:$0x3FFB];
	_ =	sdelay $0x3  }
0x92: {  	_ =	strace s18  }
0x93: {  	s3 =	sld [smem:$0x3FFC];
	_ =	sdelay $0x3  }
0x94: {  	_ =	strace s3  }
0x95: {  	s3 =	sld [smem:$0x3FFD];
	_ =	sdelay $0x3  }
0x96: {  	_ =	strace s3  }
0x97: {  	_ =	strace $0x8FFFFFFF  }
0x98: {  	s19 =	sld [smem:$0x3FDB];
	_ =	sdelay $0x1  }
0x99: {  	s4 =	simm.s32 $_scs_section_size  }
0x9a: {  	s5 =	simm.s32 $_size__tile_overlayer_lowered;
	s6 =	simm.s32 $_tile_overlayer_lowered  }
0x9b: {  	s22 =	simm.s32 $0x1BFF;
	s21 =	sshll.u32 s6, $0x1;
	s3 =	sadd.s32 s4, s19  }
0x9c: {  	s7 =	simm.s32 $0x0;
	s20 =	sshll.u32 s5, $0x1;
	s5 =	sadd.s32 s21, s3  }
0x9d: {  	[timem:s7], [sflag:s22] =	dma.local [hbm:s5], s20  }
0x9e: {  	_ =	swait.ge [sflag:s22], s20  }
0x9f: {  	s4 =	ssub.s32 $0x0, s20;
	[sflag:s22] =	ssyncset.done $0x0  }
0xa0: {  	[sflag:s22] =	ssyncadd.s32 s4;
	_ =	sdelay $0x1  }
0xa1: {  	s23 =	simm.s32 $0x1B8B  }
0xa2: {  	_ =	swait.ge [sflag:s23], $0x1  }
0xa3: {  	[sflag:s23] =	ssyncset.done $0x0  }
0xa4: {  	s25 =	simm.s32 $0x1B8E;
	s24 =	sld [smem:$0x3FFE];
	[sflag:s23] =	ssyncadd.s32 $0xFFFFFFFF  }
0xa5: {  	s26 =	simm.s32 $execute0_lowered;
	[smem:$0x3FD2] =	sst s25  }
0xa6: {  	s5 =	sshll.u32 s26, $0x1;
	_ =	strace $0x80000046;
	[dreg:$0x1] =	wrdreg $0xFFFFFFFF  }
0xa7: {  	s28 =	simm.s32 $_size_execute0_lowered;
	s3 =	sadd.s32 s3, s5;
	[dreg:$0x0] =	wrdreg $0x0  }
0xa8: {  	s5 =	sshll.u32 s28, $0x1;
	[dreg:$0x2] =	wrdreg s3  }
0xa9: {  	[dreg:$0x3] =	wrdreg s5  }
0xaa: {  	[dreg:$0x4] =	wrdreg $0xC0  }
0xab: {  	_ =	task [dreg:s7], $0x5FFFF  }
0xac: {  	[dreg:$0x1] =	wrdreg $0xFFFFFFFF  }
0xad: {  	[dreg:$0x0] =	wrdreg $0x60  }
0xae: {  	[dreg:$0x2] =	wrdreg s24  }
0xaf: {  	[dreg:$0x3] =	wrdreg s2  }
0xb0: {  	[dreg:$0x4] =	wrdreg $0x9  }
0xb1: {  	_ =	task.clear_ibuf [dreg:s7], $0x5FFFF;
	_ =	strace $0x90000046  }
0xb2: {  	s29 =	simm.s32 $0x9;
	_ =	strace $0x80000048  }
0xb3: {  	_ =	swait.ge [sflag:s29], $0x1  }
0xb4: {  	[sflag:s29] =	ssyncadd.s32 $0xFFFFFFFF  }
0xb5: {  	_ =	strace $0x90000048  }
0xb6: {  	_ =	sfence  }
0xb7: {  	s30 =	sld [smem:$0x0];
	_ =	sdelay $0x2  }
0xb8: {  	s31 =	sshll.u32 s1, $0xD;
	s1 =	sshrl.u32 s1, $0x2  }
0xb9: {  	s3 =	sand.u32 $0x4000, s31;
	s1 =	sadd.s32 s1, s30  }
0xba: {  	s0 =	sor.u32 s3, s0;
	s1 =	sshll.u32 s1, $0x11  }
0xbb: {  	s0 =	sor.u32 s1, s0  }
0xbc: {  	s0 =	sadd.s32 $0x8F2B, s0  }
0xbd: {  	[sflag:s0] =	ssyncadd.remote.s32 $0x1  }
0xbe: {  	_ =	sfence.sel $0xFFFF  }
0xbf: {  	[dreg:$0x0] =	wrdreg $0xFFFFFFFF;
	(pc) =	sbr.abs _section_cstart, $3  }
0xc0: {  	[dreg:$0x1] =	wrdreg $0xFFFFFFFF  }
0xc1: {  	_ =	task.clear_ibuf [dreg:s7], $0x2FFFF;
	_ =	strace $0x9FFFFFFF  }
0xc2: {  	(tm) =	ssettm $0x7FFFFFFF  }
0xc3: {  	_ =	shalt  }
tec
execute0_lowered:
.L_overlay_start_1:
0x0: {  	(tag) =	ssettag $0x1  }
0x1: {  	s5 =	rddreg [dreg:$0x0]  }
0x2: {  	s2 =	rddreg [dreg:$0x1]  }
0x3: {  	s0 =	rddreg [dreg:$0x2];
	s4 =	srdreg.scid  }
0x4: {  	s3 =	simm.s32 $0x0;
	s1 =	stileid.u32;
	s12 =	simm.s32 $0x186A0  }
0x5: {  	s13 =	simm.s32 $0x196A0;
	s14 =	simm.s32 $0x1;
	s15 =	simm.s32 $0x80  }
0x6: {  	s16 =	simm.s32 $0x400;
	s17 =	simm.s32 $0x1A6A0;
	s18 =	simm.s32 $0x2  }
0x7: {  	s19 =	simm.s32 $0x1B6A0;
	s20 =	simm.s32 $0x3;
	s21 =	simm.s32 $0x4  }
0x8: {  	s22 =	simm.s32 $0x0;
	s6 =	sand.u32 $0x1, s4;
	[smem:$0x7FF] =	sst s3  }
0x9: {  	s7 =	smul.u32 $0x30D4, s1;
	s4 =	sadd.s32 $0x600, s5;
	s31 =	sshll.u32 s1, $0xE  }
0xa: {  	s11 =	sshll.u32 s1, $0x7;
	s8 =	ssub.s32 $0x2, s6;
	_ =	strace $0x80000047  }
0xb: {  	s30 =	smul.u32 $0xC800, s6;
	s9 =	sshrl.u32 s8, $0x1;
	s7 =	sadd.s32 s7, s5  }
0xc: {  	s5 =	smul.u32 $0x19, s6;
	s10 =	ssub.s32 s8, s9;
	s6 =	sadd.s32 $0x19600, s7  }
0xd: {  	s7 =	sadd.s32 s4, s30;
	s9 =	sor.u32 s31, s11;
	s11 =	simm.s32 $0x5  }
0xe: {  	s8 =	sadd.s32 $0x200, s7;
	s9 =	sand.u32 $0x20380, s9;
	s10 =	smax.u32 s10, $0x1  }
.LBB2_1:
0xf: {  	[tilespmem:s3], [sflag:$0x5] =	stream.linear.gather [hbm4b:s6+s3], $0x186A0, $0x38;
	[tilespmem:$0x1C6A0] =	vst v63  }
0x10: {  	_ =	swait.ge [sflag:s11], $0x186A0  }
0x11: {  	[sflag:s11] =	ssyncset.done $0x0  }
0x12: {  	[sflag:s11] =	ssyncadd.s32 $0xFFFE7960  }
0x13: {  	[tilespmem:s12], [sflag:$0x1] =	stream.linear.gather [hbm4b:s7+s3], $0x1000, $0x38;
	[tilespmem:$0x1C6A0] =	vst v63  }
0x14: {  	s23 =	simm.s32 $0x0  }
0x15: {  	[tilespmem:s13], [sflag:$0x2] =	stream.linear.gather [hbm4b:s8+s3], $0x1000, $0x38;
	[tilespmem:$0x1C6A0] =	vst v63  }
.LBB2_2:
0x16: {  	p0 =	seq.s32 s23, $0x0  }
0x17: {  	s24 =	simm.s32 @!p0 $0x3  }
0x18: {  	_ =	swait.ge @!p0 [sflag:s24], $0x1000  }
0x19: {  	[sflag:s24] =	ssyncset.done @!p0 $0x0  }
0x1a: {  	[sflag:s24] =	ssyncadd.s32 @!p0 $0xFFFFF000;
	s24 =	simm.s32 @!p0 $0x4  }
0x1b: {  	_ =	swait.ge @!p0 [sflag:s24], $0x1000  }
0x1c: {  	[sflag:s24] =	ssyncset.done @!p0 $0x0  }
0x1d: {  	[sflag:s24] =	ssyncadd.s32 @!p0 $0xFFFFF000  }
0x1e: {  	_ =	swait.ge [sflag:s14], $0x1000  }
0x1f: {  	[sflag:s14] =	ssyncset.done $0x0  }
0x20: {  	s25 =	simm.s32 $0x0;
	[sflag:s14] =	ssyncadd.s32 $0xFFFFF000  }
0x21: {  	v0 =	vld [tilespmem:s25+$0x186A0];
	_ =	sdelay $0x5  }
0x22: {  	v1 =	vld [tilespmem:s25+$0x186B0];
	_ =	sdelay $0x1  }
0x23: {  	v0 =	vld.idx.msk [tilespmem:v0+s3+$0x0], $0xffff;
	_ =	sdelay $0x4  }
0x24: {  	[tilespmem:s25+$0x1A6A0] =	vst v0;
	v0 =	vld [tilespmem:s25+$0x186C0]  }
0x25: {  	v1 =	vld.idx.msk [tilespmem:v1+s3+$0x0], $0xffff;
	_ =	sdelay $0x4  }
0x26: {  	[tilespmem:s25+$0x1A6B0] =	vst v1;
	v1 =	vld [tilespmem:s25+$0x186D0];
	_ =	sdelay $0x1  }
0x27: {  	v0 =	vld.idx.msk [tilespmem:v0+s3+$0x0], $0xffff;
	_ =	sdelay $0x4  }
0x28: {  	[tilespmem:s25+$0x1A6C0] =	vst v0;
	v0 =	vld [tilespmem:s25+$0x186E0]  }
0x29: {  	v1 =	vld.idx.msk [tilespmem:v1+s3+$0x0], $0xffff;
	_ =	sdelay $0x4  }
0x2a: {  	[tilespmem:s25+$0x1A6D0] =	vst v1;
	v1 =	vld [tilespmem:s25+$0x186F0];
	_ =	sdelay $0x1  }
0x2b: {  	v0 =	vld.idx.msk [tilespmem:v0+s3+$0x0], $0xffff;
	_ =	sdelay $0x4  }
0x2c: {  	[tilespmem:s25+$0x1A6E0] =	vst v0;
	v0 =	vld [tilespmem:s25+$0x18700]  }
0x2d: {  	v1 =	vld.idx.msk [tilespmem:v1+s3+$0x0], $0xffff;
	_ =	sdelay $0x4  }
0x2e: {  	[tilespmem:s25+$0x1A6F0] =	vst v1;
	v1 =	vld [tilespmem:s25+$0x18710];
	_ =	sdelay $0x1  }
0x2f: {  	v0 =	vld.idx.msk [tilespmem:v0+s3+$0x0], $0xffff;
	_ =	sdelay $0x4  }
0x30: {  	[tilespmem:s25+$0x1A700] =	vst v0;
	v0 =	vld [tilespmem:s25+$0x18720]  }
0x31: {  	v1 =	vld.idx.msk [tilespmem:v1+s3+$0x0], $0xffff;
	_ =	sdelay $0x4  }
0x32: {  	[tilespmem:s25+$0x1A710] =	vst v1;
	v1 =	vld [tilespmem:s25+$0x18730];
	_ =	sdelay $0x1  }
0x33: {  	v0 =	vld.idx.msk [tilespmem:v0+s3+$0x0], $0xffff;
	_ =	sdelay $0x4  }
0x34: {  	[tilespmem:s25+$0x1A720] =	vst v0;
	v0 =	vld [tilespmem:s25+$0x18740]  }
0x35: {  	v1 =	vld.idx.msk [tilespmem:v1+s3+$0x0], $0xffff;
	_ =	sdelay $0x4  }
0x36: {  	[tilespmem:s25+$0x1A730] =	vst v1;
	v1 =	vld [tilespmem:s25+$0x18750];
	_ =	sdelay $0x1  }
0x37: {  	v0 =	vld.idx.msk [tilespmem:v0+s3+$0x0], $0xffff;
	_ =	sdelay $0x4  }
0x38: {  	[tilespmem:s25+$0x1A740] =	vst v0;
	v0 =	vld [tilespmem:s25+$0x18760]  }
0x39: {  	v1 =	vld.idx.msk [tilespmem:v1+s3+$0x0], $0xffff;
	_ =	sdelay $0x4  }
0x3a: {  	[tilespmem:s25+$0x1A750] =	vst v1;
	v1 =	vld [tilespmem:s25+$0x18770];
	_ =	sdelay $0x1  }
0x3b: {  	v0 =	vld.idx.msk [tilespmem:v0+s3+$0x0], $0xffff;
	_ =	sdelay $0x4  }
0x3c: {  	v2 =	vld [tilespmem:s25+$0x18780];
	[tilespmem:s25+$0x1A760] =	vst v0  }
0x3d: {  	v0 =	vld.idx.msk [tilespmem:v1+s3+$0x0], $0xffff;
	_ =	sdelay $0x4  }
0x3e: {  	[tilespmem:s25+$0x1A770] =	vst v0;
	v0 =	vld [tilespmem:s25+$0x18790];
	_ =	sdelay $0x1  }
0x3f: {  	v1 =	vld.idx.msk [tilespmem:v2+s3+$0x0], $0xffff;
	_ =	sdelay $0x3  }
0x40: {  	s28 =	simm.s32 $0x100;
	s26 =	simm.s32 $0x800;
	s24 =	sshll.u32 s23, $0x1  }
.LBB2_3:
0x41: {  	p0 =	sne.s32 s26, $0x3C00;
	v2 =	vld [tilespmem:s28+$0x186A0];
	[tilespmem:s25+$0x1A780] =	vst v1  }
0x42: {  	v0 =	vld.idx.msk [tilespmem:v0+s3+$0x0], $0xffff;
	_ =	sdelay $0x5  }
0x43: {  	v1 =	vld [tilespmem:s28+$0x186B0];
	[tilespmem:s25+$0x1A790] =	vst v0;
	s25 =	smov.u32 s28  }
0x44: {  	v0 =	vld.idx.msk [tilespmem:v2+s3+$0x0], $0xffff;
	_ =	sdelay $0x5  }
0x45: {  	[tilespmem:s25+$0x1A6A0] =	vst v0;
	v0 =	vld [tilespmem:s25+$0x186C0]  }
0x46: {  	v1 =	vld.idx.msk [tilespmem:v1+s3+$0x0], $0xffff;
	_ =	sdelay $0x5  }
0x47: {  	[tilespmem:s25+$0x1A6B0] =	vst v1;
	v1 =	vld [tilespmem:s25+$0x186D0]  }
0x48: {  	v0 =	vld.idx.msk [tilespmem:v0+s3+$0x0], $0xffff;
	_ =	sdelay $0x5  }
0x49: {  	[tilespmem:s25+$0x1A6C0] =	vst v0;
	v0 =	vld [tilespmem:s25+$0x186E0]  }
0x4a: {  	v1 =	vld.idx.msk [tilespmem:v1+s3+$0x0], $0xffff;
	_ =	sdelay $0x5  }
0x4b: {  	[tilespmem:s25+$0x1A6D0] =	vst v1;
	v1 =	vld [tilespmem:s25+$0x186F0]  }
0x4c: {  	v0 =	vld.idx.msk [tilespmem:v0+s3+$0x0], $0xffff;
	_ =	sdelay $0x5  }
0x4d: {  	[tilespmem:s25+$0x1A6E0] =	vst v0;
	v0 =	vld [tilespmem:s25+$0x18700]  }
0x4e: {  	v1 =	vld.idx.msk [tilespmem:v1+s3+$0x0], $0xffff;
	_ =	sdelay $0x5  }
0x4f: {  	[tilespmem:s25+$0x1A6F0] =	vst v1;
	v1 =	vld [tilespmem:s25+$0x18710]  }
0x50: {  	v0 =	vld.idx.msk [tilespmem:v0+s3+$0x0], $0xffff;
	_ =	sdelay $0x5  }
0x51: {  	[tilespmem:s25+$0x1A700] =	vst v0;
	v0 =	vld [tilespmem:s25+$0x18720]  }
0x52: {  	v1 =	vld.idx.msk [tilespmem:v1+s3+$0x0], $0xffff;
	_ =	sdelay $0x5  }
0x53: {  	[tilespmem:s25+$0x1A710] =	vst v1;
	v1 =	vld [tilespmem:s25+$0x18730]  }
0x54: {  	v0 =	vld.idx.msk [tilespmem:v0+s3+$0x0], $0xffff;
	_ =	sdelay $0x5  }
0x55: {  	[tilespmem:s25+$0x1A720] =	vst v0;
	v0 =	vld [tilespmem:s25+$0x18740]  }
0x56: {  	v1 =	vld.idx.msk [tilespmem:v1+s3+$0x0], $0xffff;
	_ =	sdelay $0x5  }
0x57: {  	[tilespmem:s25+$0x1A730] =	vst v1;
	v1 =	vld [tilespmem:s25+$0x18750]  }
0x58: {  	v0 =	vld.idx.msk [tilespmem:v0+s3+$0x0], $0xffff;
	_ =	sdelay $0x5  }
0x59: {  	[tilespmem:s25+$0x1A740] =	vst v0;
	v0 =	vld [tilespmem:s25+$0x18760]  }
0x5a: {  	v1 =	vld.idx.msk [tilespmem:v1+s3+$0x0], $0xffff;
	_ =	sdelay $0x5  }
0x5b: {  	[tilespmem:s25+$0x1A750] =	vst v1;
	v1 =	vld [tilespmem:s25+$0x18770]  }
0x5c: {  	v0 =	vld.idx.msk [tilespmem:v0+s3+$0x0], $0xffff;
	_ =	sdelay $0x5  }
0x5d: {  	[tilespmem:s25+$0x1A760] =	vst v0;
	v2 =	vld [tilespmem:s25+$0x18780]  }
0x5e: {  	v0 =	vld.idx.msk [tilespmem:v1+s3+$0x0], $0xffff;
	_ =	sdelay $0x5  }
0x5f: {  	[tilespmem:s25+$0x1A770] =	vst v0;
	v0 =	vld [tilespmem:s25+$0x18790]  }
0x60: {  	v1 =	vld.idx.msk [tilespmem:v2+s3+$0x0], $0xffff  }
.Ltmp0:
0x61: {  	(pc) =	sbr.rel @p0 .LBB2_3-.Ltmp0, $2  }
0x62: {  	_ =	sdelay $0x2  }
0x63: {  	s28 =	sshra.s32 s26, $0x2;
	s26 =	sadd.s32 $0x400, s26  }
0x64: {  	_ =	sdelay $0x1  }
0x65: {  	v2 =	vld [tilespmem:s28+$0x186A0]  }
0x66: {  	[tilespmem:s25+$0x1A780] =	vst v1  }
0x67: {  	v0 =	vld.idx.msk [tilespmem:v0+s3+$0x0], $0xffff;
	_ =	sdelay $0x3  }
0x68: {  	v1 =	vld [tilespmem:s28+$0x186B0]  }
0x69: {  	[tilespmem:s25+$0x1A790] =	vst v0  }
0x6a: {  	v0 =	vld.idx.msk [tilespmem:v2+s3+$0x0], $0xffff;
	_ =	sdelay $0x4  }
0x6b: {  	[tilespmem:s28+$0x1A6A0] =	vst v0;
	v0 =	vld [tilespmem:s28+$0x186C0]  }
0x6c: {  	v1 =	vld.idx.msk [tilespmem:v1+s3+$0x0], $0xffff;
	_ =	sdelay $0x4  }
0x6d: {  	[tilespmem:s28+$0x1A6B0] =	vst v1;
	v1 =	vld [tilespmem:s28+$0x186D0];
	_ =	sdelay $0x1  }
0x6e: {  	v0 =	vld.idx.msk [tilespmem:v0+s3+$0x0], $0xffff;
	_ =	sdelay $0x4  }
0x6f: {  	[tilespmem:s28+$0x1A6C0] =	vst v0;
	v0 =	vld [tilespmem:s28+$0x186E0]  }
0x70: {  	v1 =	vld.idx.msk [tilespmem:v1+s3+$0x0], $0xffff;
	_ =	sdelay $0x4  }
0x71: {  	[tilespmem:s28+$0x1A6D0] =	vst v1;
	v1 =	vld [tilespmem:s28+$0x186F0];
	_ =	sdelay $0x1  }
0x72: {  	v0 =	vld.idx.msk [tilespmem:v0+s3+$0x0], $0xffff;
	_ =	sdelay $0x4  }
0x73: {  	[tilespmem:s28+$0x1A6E0] =	vst v0;
	v0 =	vld [tilespmem:s28+$0x18700]  }
0x74: {  	v1 =	vld.idx.msk [tilespmem:v1+s3+$0x0], $0xffff;
	_ =	sdelay $0x4  }
0x75: {  	[tilespmem:s28+$0x1A6F0] =	vst v1;
	v1 =	vld [tilespmem:s28+$0x18710];
	_ =	sdelay $0x1  }
0x76: {  	v0 =	vld.idx.msk [tilespmem:v0+s3+$0x0], $0xffff;
	_ =	sdelay $0x4  }
0x77: {  	[tilespmem:s28+$0x1A700] =	vst v0;
	v0 =	vld [tilespmem:s28+$0x18720]  }
0x78: {  	v1 =	vld.idx.msk [tilespmem:v1+s3+$0x0], $0xffff;
	_ =	sdelay $0x4  }
0x79: {  	[tilespmem:s28+$0x1A710] =	vst v1;
	v1 =	vld [tilespmem:s28+$0x18730];
	_ =	sdelay $0x1  }
0x7a: {  	v0 =	vld.idx.msk [tilespmem:v0+s3+$0x0], $0xffff;
	_ =	sdelay $0x4  }
0x7b: {  	[tilespmem:s28+$0x1A720] =	vst v0;
	v0 =	vld [tilespmem:s28+$0x18740]  }
0x7c: {  	v1 =	vld.idx.msk [tilespmem:v1+s3+$0x0], $0xffff;
	_ =	sdelay $0x4  }
0x7d: {  	[tilespmem:s28+$0x1A730] =	vst v1;
	v1 =	vld [tilespmem:s28+$0x18750];
	_ =	sdelay $0x1  }
0x7e: {  	v0 =	vld.idx.msk [tilespmem:v0+s3+$0x0], $0xffff;
	_ =	sdelay $0x4  }
0x7f: {  	[tilespmem:s28+$0x1A740] =	vst v0;
	v0 =	vld [tilespmem:s28+$0x18760]  }
0x80: {  	v1 =	vld.idx.msk [tilespmem:v1+s3+$0x0], $0xffff;
	_ =	sdelay $0x4  }
0x81: {  	[tilespmem:s28+$0x1A750] =	vst v1;
	v1 =	vld [tilespmem:s28+$0x18770];
	_ =	sdelay $0x1  }
0x82: {  	v0 =	vld.idx.msk [tilespmem:v0+s3+$0x0], $0xffff;
	_ =	sdelay $0x4  }
0x83: {  	[tilespmem:s28+$0x1A760] =	vst v0;
	v0 =	vld [tilespmem:s28+$0x18780]  }
0x84: {  	v1 =	vld.idx.msk [tilespmem:v1+s3+$0x0], $0xffff;
	_ =	sdelay $0x4  }
0x85: {  	[tilespmem:s28+$0x1A770] =	vst v1;
	v1 =	vld [tilespmem:s28+$0x18790];
	_ =	sdelay $0x1  }
0x86: {  	v0 =	vld.idx.msk [tilespmem:v0+s3+$0x0], $0xffff;
	_ =	sdelay $0x4  }
0x87: {  	[tilespmem:s28+$0x1A780] =	vst v0  }
0x88: {  	p0 =	seq.s32 s23, $0x31;
	v0 =	vld.idx.msk [tilespmem:v1+s3+$0x0], $0xffff  }
0x89: {  	s25 =	sadd.s32 @!p0 $0x2, s24  }
0x8a: {  	s26 =	sshrl.u32 @!p0 s25, $0x2;
	s25 =	sshll.u32 @!p0 s25, $0x9  }
0x8b: {  	s26 =	sadd.s32 @!p0 s5, s26;
	s25 =	sand.u32 @!p0 $0x400, s25  }
0x8c: {  	s26 =	sshll.u32 @!p0 s26, $0xB;
	s25 =	sadd.s32 @!p0 s4, s25  }
0x8d: {  	s25 =	sadd.s32 @!p0 s26, s25;
	s26 =	simm.s32 @!p0 $0x0;
	[tilespmem:s28+$0x1A790] =	vst v0;
	s28 =	simm.s32 @!p0 $0x186A0  }
0x8e: {  	[tilespmem:s28], [sflag:$0x1] =	stream.linear.gather @!p0 [hbm4b:s25+s26], $0x1000, $0x38;
	[tilespmem:$0x1C6A0] =	vst v63  }
0x8f: {  	s30 =	sshll.u32 s23, $0x10;
	s26 =	sshrl.u32 s23, $0x1  }
0x90: {  	s25 =	sadd.s32 s5, s26;
	s26 =	sand.u32 $0x10000, s30  }
0x91: {  	s25 =	sshll.u32 s25, $0x12;
	s26 =	sor.u32 s26, s9  }
0x92: {  	s25 =	sor.u32 s25, s26  }
0x93: {  	s25 =	sshrl.u32 s25, $0x3  }
0x94: {  	s31 =	sadd.s32 s2, s25  }
0x95: {  	[hbm4b:s31+s15] =	stream.strided.scatter [tilespmem:s17], [sflag:$0x3], $0x1000, s16, s15, $0x38;
	[tilespmem:$0x1C6A0] =	vst v63  }
0x96: {  	_ =	swait.ge [sflag:s18], $0x1000  }
0x97: {  	[sflag:s18] =	ssyncset.done $0x0  }
0x98: {  	s26 =	simm.s32 $0x0;
	[sflag:s18] =	ssyncadd.s32 $0xFFFFF000  }
0x99: {  	v0 =	vld [tilespmem:s26+$0x196A0];
	_ =	sdelay $0x5  }
0x9a: {  	v1 =	vld [tilespmem:s26+$0x196B0];
	_ =	sdelay $0x1  }
0x9b: {  	v0 =	vld.idx.msk [tilespmem:v0+s3+$0x0], $0xffff;
	_ =	sdelay $0x4  }
0x9c: {  	[tilespmem:s26+$0x1B6A0] =	vst v0;
	v0 =	vld [tilespmem:s26+$0x196C0]  }
0x9d: {  	v1 =	vld.idx.msk [tilespmem:v1+s3+$0x0], $0xffff;
	_ =	sdelay $0x4  }
0x9e: {  	[tilespmem:s26+$0x1B6B0] =	vst v1;
	v1 =	vld [tilespmem:s26+$0x196D0];
	_ =	sdelay $0x1  }
0x9f: {  	v0 =	vld.idx.msk [tilespmem:v0+s3+$0x0], $0xffff;
	_ =	sdelay $0x4  }
0xa0: {  	[tilespmem:s26+$0x1B6C0] =	vst v0;
	v0 =	vld [tilespmem:s26+$0x196E0]  }
0xa1: {  	v1 =	vld.idx.msk [tilespmem:v1+s3+$0x0], $0xffff;
	_ =	sdelay $0x4  }
0xa2: {  	[tilespmem:s26+$0x1B6D0] =	vst v1;
	v1 =	vld [tilespmem:s26+$0x196F0];
	_ =	sdelay $0x1  }
0xa3: {  	v0 =	vld.idx.msk [tilespmem:v0+s3+$0x0], $0xffff;
	_ =	sdelay $0x4  }
0xa4: {  	[tilespmem:s26+$0x1B6E0] =	vst v0;
	v0 =	vld [tilespmem:s26+$0x19700]  }
0xa5: {  	v1 =	vld.idx.msk [tilespmem:v1+s3+$0x0], $0xffff;
	_ =	sdelay $0x4  }
0xa6: {  	[tilespmem:s26+$0x1B6F0] =	vst v1;
	v1 =	vld [tilespmem:s26+$0x19710];
	_ =	sdelay $0x1  }
0xa7: {  	v0 =	vld.idx.msk [tilespmem:v0+s3+$0x0], $0xffff;
	_ =	sdelay $0x4  }
0xa8: {  	[tilespmem:s26+$0x1B700] =	vst v0;
	v0 =	vld [tilespmem:s26+$0x19720]  }
0xa9: {  	v1 =	vld.idx.msk [tilespmem:v1+s3+$0x0], $0xffff;
	_ =	sdelay $0x4  }
0xaa: {  	[tilespmem:s26+$0x1B710] =	vst v1;
	v1 =	vld [tilespmem:s26+$0x19730];
	_ =	sdelay $0x1  }
0xab: {  	v0 =	vld.idx.msk [tilespmem:v0+s3+$0x0], $0xffff;
	_ =	sdelay $0x4  }
0xac: {  	[tilespmem:s26+$0x1B720] =	vst v0;
	v0 =	vld [tilespmem:s26+$0x19740]  }
0xad: {  	v1 =	vld.idx.msk [tilespmem:v1+s3+$0x0], $0xffff;
	_ =	sdelay $0x4  }
0xae: {  	[tilespmem:s26+$0x1B730] =	vst v1;
	v1 =	vld [tilespmem:s26+$0x19750];
	_ =	sdelay $0x1  }
0xaf: {  	v0 =	vld.idx.msk [tilespmem:v0+s3+$0x0], $0xffff;
	_ =	sdelay $0x4  }
0xb0: {  	[tilespmem:s26+$0x1B740] =	vst v0;
	v0 =	vld [tilespmem:s26+$0x19760]  }
0xb1: {  	v1 =	vld.idx.msk [tilespmem:v1+s3+$0x0], $0xffff;
	_ =	sdelay $0x4  }
0xb2: {  	[tilespmem:s26+$0x1B750] =	vst v1;
	v1 =	vld [tilespmem:s26+$0x19770];
	_ =	sdelay $0x1  }
0xb3: {  	v0 =	vld.idx.msk [tilespmem:v0+s3+$0x0], $0xffff;
	_ =	sdelay $0x4  }
0xb4: {  	v2 =	vld [tilespmem:s26+$0x19780];
	[tilespmem:s26+$0x1B760] =	vst v0  }
0xb5: {  	v0 =	vld.idx.msk [tilespmem:v1+s3+$0x0], $0xffff;
	_ =	sdelay $0x4  }
0xb6: {  	[tilespmem:s26+$0x1B770] =	vst v0;
	v0 =	vld [tilespmem:s26+$0x19790];
	_ =	sdelay $0x1  }
0xb7: {  	v1 =	vld.idx.msk [tilespmem:v2+s3+$0x0], $0xffff;
	_ =	sdelay $0x3  }
0xb8: {  	s29 =	simm.s32 $0x100;
	s28 =	simm.s32 $0x800  }
.LBB2_5:
0xb9: {  	p1 =	sne.s32 s28, $0x3C00;
	v2 =	vld [tilespmem:s29+$0x196A0];
	[tilespmem:s26+$0x1B780] =	vst v1  }
0xba: {  	v0 =	vld.idx.msk [tilespmem:v0+s3+$0x0], $0xffff;
	_ =	sdelay $0x5  }
0xbb: {  	v1 =	vld [tilespmem:s29+$0x196B0];
	[tilespmem:s26+$0x1B790] =	vst v0;
	s26 =	smov.u32 s29  }
0xbc: {  	v0 =	vld.idx.msk [tilespmem:v2+s3+$0x0], $0xffff;
	_ =	sdelay $0x5  }
0xbd: {  	[tilespmem:s26+$0x1B6A0] =	vst v0;
	v0 =	vld [tilespmem:s26+$0x196C0]  }
0xbe: {  	v1 =	vld.idx.msk [tilespmem:v1+s3+$0x0], $0xffff;
	_ =	sdelay $0x5  }
0xbf: {  	[tilespmem:s26+$0x1B6B0] =	vst v1;
	v1 =	vld [tilespmem:s26+$0x196D0]  }
0xc0: {  	v0 =	vld.idx.msk [tilespmem:v0+s3+$0x0], $0xffff;
	_ =	sdelay $0x5  }
0xc1: {  	[tilespmem:s26+$0x1B6C0] =	vst v0;
	v0 =	vld [tilespmem:s26+$0x196E0]  }
0xc2: {  	v1 =	vld.idx.msk [tilespmem:v1+s3+$0x0], $0xffff;
	_ =	sdelay $0x5  }
0xc3: {  	[tilespmem:s26+$0x1B6D0] =	vst v1;
	v1 =	vld [tilespmem:s26+$0x196F0]  }
0xc4: {  	v0 =	vld.idx.msk [tilespmem:v0+s3+$0x0], $0xffff;
	_ =	sdelay $0x5  }
0xc5: {  	[tilespmem:s26+$0x1B6E0] =	vst v0;
	v0 =	vld [tilespmem:s26+$0x19700]  }
0xc6: {  	v1 =	vld.idx.msk [tilespmem:v1+s3+$0x0], $0xffff;
	_ =	sdelay $0x5  }
0xc7: {  	[tilespmem:s26+$0x1B6F0] =	vst v1;
	v1 =	vld [tilespmem:s26+$0x19710]  }
0xc8: {  	v0 =	vld.idx.msk [tilespmem:v0+s3+$0x0], $0xffff;
	_ =	sdelay $0x5  }
0xc9: {  	[tilespmem:s26+$0x1B700] =	vst v0;
	v0 =	vld [tilespmem:s26+$0x19720]  }
0xca: {  	v1 =	vld.idx.msk [tilespmem:v1+s3+$0x0], $0xffff;
	_ =	sdelay $0x5  }
0xcb: {  	[tilespmem:s26+$0x1B710] =	vst v1;
	v1 =	vld [tilespmem:s26+$0x19730]  }
0xcc: {  	v0 =	vld.idx.msk [tilespmem:v0+s3+$0x0], $0xffff;
	_ =	sdelay $0x5  }
0xcd: {  	[tilespmem:s26+$0x1B720] =	vst v0;
	v0 =	vld [tilespmem:s26+$0x19740]  }
0xce: {  	v1 =	vld.idx.msk [tilespmem:v1+s3+$0x0], $0xffff;
	_ =	sdelay $0x5  }
0xcf: {  	[tilespmem:s26+$0x1B730] =	vst v1;
	v1 =	vld [tilespmem:s26+$0x19750]  }
0xd0: {  	v0 =	vld.idx.msk [tilespmem:v0+s3+$0x0], $0xffff;
	_ =	sdelay $0x5  }
0xd1: {  	[tilespmem:s26+$0x1B740] =	vst v0;
	v0 =	vld [tilespmem:s26+$0x19760]  }
0xd2: {  	v1 =	vld.idx.msk [tilespmem:v1+s3+$0x0], $0xffff;
	_ =	sdelay $0x5  }
0xd3: {  	[tilespmem:s26+$0x1B750] =	vst v1;
	v1 =	vld [tilespmem:s26+$0x19770]  }
0xd4: {  	v0 =	vld.idx.msk [tilespmem:v0+s3+$0x0], $0xffff;
	_ =	sdelay $0x5  }
0xd5: {  	[tilespmem:s26+$0x1B760] =	vst v0;
	v2 =	vld [tilespmem:s26+$0x19780]  }
0xd6: {  	v0 =	vld.idx.msk [tilespmem:v1+s3+$0x0], $0xffff;
	_ =	sdelay $0x5  }
0xd7: {  	[tilespmem:s26+$0x1B770] =	vst v0;
	v0 =	vld [tilespmem:s26+$0x19790]  }
0xd8: {  	v1 =	vld.idx.msk [tilespmem:v2+s3+$0x0], $0xffff  }
.Ltmp1:
0xd9: {  	(pc) =	sbr.rel @p1 .LBB2_5-.Ltmp1, $2  }
0xda: {  	_ =	sdelay $0x2  }
0xdb: {  	s29 =	sshra.s32 s28, $0x2;
	s28 =	sadd.s32 $0x400, s28  }
0xdc: {  	_ =	sdelay $0x1  }
0xdd: {  	v2 =	vld [tilespmem:s29+$0x196A0]  }
0xde: {  	[tilespmem:s26+$0x1B780] =	vst v1  }
0xdf: {  	v0 =	vld.idx.msk [tilespmem:v0+s3+$0x0], $0xffff;
	_ =	sdelay $0x3  }
0xe0: {  	v1 =	vld [tilespmem:s29+$0x196B0]  }
0xe1: {  	[tilespmem:s26+$0x1B790] =	vst v0  }
0xe2: {  	v0 =	vld.idx.msk [tilespmem:v2+s3+$0x0], $0xffff;
	_ =	sdelay $0x3  }
0xe3: {  	v50 =	vld [tilespmem:s29+$0x196C0]  }
0xe4: {  	[tilespmem:s29+$0x1B6A0] =	vst v0  }
0xe5: {  	v1 =	vld.idx.msk [tilespmem:v1+s3+$0x0], $0xffff;
	_ =	sdelay $0x3  }
0xe6: {  	v51 =	vld [tilespmem:s29+$0x196D0]  }
0xe7: {  	[tilespmem:s29+$0x1B6B0] =	vst v1  }
0xe8: {  	v0 =	vld.idx.msk [tilespmem:v50+s3+$0x0], $0xffff;
	_ =	sdelay $0x3  }
0xe9: {  	v52 =	vld [tilespmem:s29+$0x196E0]  }
0xea: {  	[tilespmem:s29+$0x1B6C0] =	vst v0  }
0xeb: {  	v1 =	vld.idx.msk [tilespmem:v51+s3+$0x0], $0xffff;
	_ =	sdelay $0x3  }
0xec: {  	v53 =	vld [tilespmem:s29+$0x196F0]  }
0xed: {  	[tilespmem:s29+$0x1B6D0] =	vst v1  }
0xee: {  	v0 =	vld.idx.msk [tilespmem:v52+s3+$0x0], $0xffff;
	_ =	sdelay $0x3  }
0xef: {  	v54 =	vld [tilespmem:s29+$0x19700]  }
0xf0: {  	[tilespmem:s29+$0x1B6E0] =	vst v0  }
0xf1: {  	v1 =	vld.idx.msk [tilespmem:v53+s3+$0x0], $0xffff;
	_ =	sdelay $0x3  }
0xf2: {  	v55 =	vld [tilespmem:s29+$0x19710]  }
0xf3: {  	[tilespmem:s29+$0x1B6F0] =	vst v1  }
0xf4: {  	v0 =	vld.idx.msk [tilespmem:v54+s3+$0x0], $0xffff;
	_ =	sdelay $0x3  }
0xf5: {  	v56 =	vld [tilespmem:s29+$0x19720]  }
0xf6: {  	[tilespmem:s29+$0x1B700] =	vst v0  }
0xf7: {  	v1 =	vld.idx.msk [tilespmem:v55+s3+$0x0], $0xffff;
	_ =	sdelay $0x3  }
0xf8: {  	v57 =	vld [tilespmem:s29+$0x19730]  }
0xf9: {  	[tilespmem:s29+$0x1B710] =	vst v1  }
0xfa: {  	v0 =	vld.idx.msk [tilespmem:v56+s3+$0x0], $0xffff;
	_ =	sdelay $0x3  }
0xfb: {  	v58 =	vld [tilespmem:s29+$0x19740]  }
0xfc: {  	[tilespmem:s29+$0x1B720] =	vst v0  }
0xfd: {  	v1 =	vld.idx.msk [tilespmem:v57+s3+$0x0], $0xffff;
	_ =	sdelay $0x3  }
0xfe: {  	v59 =	vld [tilespmem:s29+$0x19750]  }
0xff: {  	[tilespmem:s29+$0x1B730] =	vst v1  }
0x100: {  	v0 =	vld.idx.msk [tilespmem:v58+s3+$0x0], $0xffff;
	_ =	sdelay $0x3  }
0x101: {  	v60 =	vld [tilespmem:s29+$0x19760]  }
0x102: {  	[tilespmem:s29+$0x1B740] =	vst v0  }
0x103: {  	v1 =	vld.idx.msk [tilespmem:v59+s3+$0x0], $0xffff;
	_ =	sdelay $0x3  }
0x104: {  	v61 =	vld [tilespmem:s29+$0x19770]  }
0x105: {  	[tilespmem:s29+$0x1B750] =	vst v1  }
0x106: {  	v0 =	vld.idx.msk [tilespmem:v60+s3+$0x0], $0xffff;
	_ =	sdelay $0x3  }
0x107: {  	v62 =	vld [tilespmem:s29+$0x19780]  }
0x108: {  	[tilespmem:s29+$0x1B760] =	vst v0  }
0x109: {  	v1 =	vld.idx.msk [tilespmem:v61+s3+$0x0], $0xffff;
	_ =	sdelay $0x3  }
0x10a: {  	v63 =	vld [tilespmem:s29+$0x19790]  }
0x10b: {  	[tilespmem:s29+$0x1B770] =	vst v1  }
0x10c: {  	v0 =	vld.idx.msk [tilespmem:v62+s3+$0x0], $0xffff;
	_ =	sdelay $0x4  }
0x10d: {  	[tilespmem:s29+$0x1B780] =	vst v0  }
0x10e: {  	v0 =	vld.idx.msk [tilespmem:v63+s3+$0x0], $0xffff  }
0x10f: {  	s24 =	sadd.s32 @!p0 $0x3, s24  }
0x110: {  	s26 =	sshrl.u32 @!p0 s24, $0x2;
	s24 =	sshll.u32 @!p0 s24, $0x9  }
0x111: {  	s26 =	sadd.s32 @!p0 s5, s26;
	s24 =	sand.u32 @!p0 $0x600, s24  }
0x112: {  	s28 =	simm.s32 @!p0 $0x196A0;
	s26 =	sshll.u32 @!p0 s26, $0xB;
	s24 =	sadd.s32 @!p0 s4, s24  }
0x113: {  	s23 =	sadd.s32 $0x1, s23;
	s24 =	sadd.s32 @!p0 s26, s24;
	s26 =	simm.s32 @!p0 $0x0;
	[tilespmem:s29+$0x1B790] =	vst v0  }
0x114: {  	[tilespmem:s28], [sflag:$0x2] =	stream.linear.gather @!p0 [hbm4b:s24+s26], $0x1000, $0x38;
	[tilespmem:$0x1C6A0] =	vst v63  }
0x115: {  	p0 =	sne.s32 s23, $0x32  }
.Ltmp2:
0x116: {  	_ = 	snop;
	(pc) =	sbr.rel @p0 .LBB2_2-.Ltmp2, $4  }
0x117: {  	_ = 	snop  }
0x118: {  	s31 =	sadd.s32 s25, s2  }
0x119: {  	s24 =	sadd.s32 $0x1000, s31  }
0x11a: {  	[hbm4b:s24+s15] =	stream.strided.scatter [tilespmem:s19], [sflag:$0x4], $0x1000, s16, s15, $0x38;
	[tilespmem:$0x1C6A0] =	vst v63  }
0x11b: {  	s22 =	sadd.s32 $0x1, s22  }
0x11c: {  	_ =	swait.ge [sflag:s20], $0x1000;
	p0 =	sne.s32 s22, s10  }
.Ltmp3:
0x11d: {  	[sflag:s20] =	ssyncset.done $0x0;
	(pc) =	sbr.rel @p0 .LBB2_1-.Ltmp3, $4  }
0x11e: {  	[sflag:s20] =	ssyncadd.s32 $0xFFFFF000  }
0x11f: {  	_ =	swait.ge [sflag:s21], $0x1000  }
0x120: {  	[sflag:s21] =	ssyncset.done $0x0  }
0x121: {  	[sflag:s21] =	ssyncadd.s32 $0xFFFFF000  }
0x122: {  	_ =	sfence.sel $0x180000  }
0x123: {  	[bflag:$0x0] =	sbarrier.arrive $0xFFFF  }
0x124: {  	p0 =	sne.s32 s1, $0x0;
	_ =	strace $0x90000047  }
0x125: {  	s0 =	sadd.s32 @!p0 $0x100000, s0;
	[bflag:$0x2] =	sbarrier.arrive $0xFFFF  }
0x126: {  	[sflag:s0] =	ssyncadd.tile.s32 @!p0 $0x1;
	_ =	shalt  }
.Lfunc_end2:
_tile_overlayer_lowered:
.L_overlay_start_2:
0x127: {  	(tag) =	ssettag $0x2  }
0x128: {  	s0 =	rddreg [dreg:$0x0];
	s2 =	stileid.u32  }
0x129: {  	s1 =	rddreg [dreg:$0x1];
	p0 =	sne.s32 s2, $0x0  }
0x12a: {  	s3 =	rddreg [dreg:$0x2];
	[bflag:$0x3] =	sbarrier.arrive $0xFFFF;
	s2 =	simm.s32 @!p0 $0x1C05  }
0x12b: {  	[timem:s3], [sflag:s2] =	dma.local @!p0 [hbm:s0], s1  }
0x12c: {  	s0 =	simm.s32 @!p0 $0x5  }
0x12d: {  	_ =	swait.ge @!p0 [sflag:s0], s1  }
0x12e: {  	s1 =	ssub.s32 @!p0 $0x0, s1;
	[sflag:s0] =	ssyncset.done @!p0 $0x0  }
0x12f: {  	[sflag:s0] =	ssyncadd.s32 @!p0 s1  }
0x130: {  	[bflag:$0x3] =	sbarrier.arrive $0xFFFF  }
0x131: {  	_ =	shalt  }

</sc_bundles>
